<compile_context>
chip_gen: v7x
topology: tpu7x:2x2x1
jax: 0.10.2.dev20260603
libtpu: 0.0.44.dev20260713+nightly
codegen_flags: <defaults>
</compile_context>

<pallas_src>
import functools

import jax
import jax.numpy as jnp
from jax import lax
from jax.experimental import pallas as pl
from jax.experimental.pallas import tpu as pltpu
from jax.experimental.pallas import tpu_sc as plsc

_NW = 32
_CHUNK = 80

_LOG2E = 1.4426950408889634
_LN2 = 0.6931471805599453


def _softplus(x):
    return _LN2 * jnp.log2(1.0 + jnp.exp2(x * _LOG2E))


def _sc_gather(table, idx3):
    v, d = table.shape
    nw, n_chunks, chunk = idx3.shape
    b_per_w = n_chunks * chunk
    nm = nw * b_per_w
    mesh = plsc.VectorSubcoreMesh(core_axis_name="c", subcore_axis_name="s")

    nbuf = 6
    ahead = 3
    n_uni = (n_chunks - 2 * ahead - 5) // nbuf
    assert n_chunks == 2 * ahead + 5 + n_uni * nbuf and n_chunks >= 12

    @functools.partial(
        pl.kernel,
        mesh=mesh,
        out_type=jax.ShapeDtypeStruct((nm, d), table.dtype),
        scratch_types=(
            [pltpu.VMEM((n_chunks, chunk), jnp.int32)]
            + [pltpu.VMEM((chunk, d), table.dtype)] * nbuf
            + [pltpu.SemaphoreType.DMA] * (2 * nbuf)
        ),
    )
    def gather_kernel(table_hbm, idx_hbm, out_hbm, idx_v, *bufs_and_sems):
        bufs = bufs_and_sems[:nbuf]
        gsems = bufs_and_sems[nbuf:2 * nbuf]
        ssems = bufs_and_sems[2 * nbuf:]
        wid = lax.axis_index("s") * 2 + lax.axis_index("c")
        base = pl.multiple_of(wid * b_per_w, 8)
        pltpu.sync_copy(idx_hbm.at[wid], idx_v)

        def out_slice(c):
            off = pl.multiple_of(base + c * chunk, 8)
            return out_hbm.at[pl.ds(off, chunk)]

        def issue(c, b):
            pltpu.make_async_copy(
                table_hbm.at[idx_v.at[c]], bufs[b], gsems[b]
            ).start()

        def wait_store(c, b):
            pltpu.make_async_copy(bufs[b], out_slice(c), ssems[b]).wait()

        def drain(c, b):
            pltpu.make_async_copy(
                table_hbm.at[idx_v.at[c]], bufs[b], gsems[b]
            ).wait()
            pltpu.make_async_copy(bufs[b], out_slice(c), ssems[b]).start()

        last = n_chunks - 1

        def step(c):
            if c >= ahead:
                wait_store(c - ahead, (c - ahead) % nbuf)
            if c + ahead <= last:
                issue(c + ahead, (c + ahead) % nbuf)
            drain(c, c % nbuf)

        for c in range(ahead):
            issue(c, c % nbuf)
        for c in range(ahead + 2):
            step(c)

        def body(g, carry):
            for j in range(nbuf):
                c = (ahead + 2) + g * nbuf + j
                wait_store(c - ahead, (2 + j) % nbuf)
                issue(c + ahead, (2 + j) % nbuf)
                drain(c, (ahead + 2 + j) % nbuf)
            return carry

        lax.fori_loop(0, n_uni, body, 0)

        for c in range(ahead + 2 + n_uni * nbuf, n_chunks):
            step(c)
        for c in range(n_chunks - ahead, n_chunks):
            wait_store(c, c % nbuf)

    return gather_kernel(table, idx3)


def _tc_main(atom, g2, nbr3, w1s_t, w1n_t, w1e_t, b1r, w2_t, b2r, block_n):
    n, d = atom.shape
    m = g2.shape[0] // n
    de = nbr3.shape[2]
    h2 = w1s_t.shape[1]
    m1 = m // 2
    grid = n // block_n

    def body(atom_ref, g_ref, nbr_ref, w1s_ref, w1n_ref, w1e_ref, b1_ref,
             w2_ref, b2_ref, h_ref, stats_ref):
        atomb = atom_ref[...]
        g = g_ref[...]
        nbr = nbr_ref[...].reshape(block_n * m, de)
        s_self = jnp.dot(atomb, w1s_ref[...],
                         preferred_element_type=jnp.float32) + b1_ref[...]
        t_nbr = jnp.dot(g, w1n_ref[...], preferred_element_type=jnp.float32)
        e_edge = jnp.dot(nbr, w1e_ref[...], preferred_element_type=jnp.float32)
        z = (t_nbr + e_edge).reshape(block_n, m, h2) + s_self[:, None, :]
        pooled = (jnp.sum(jax.nn.relu(z[:, :m1, :]), axis=1)
                  + jnp.sum(_softplus(z[:, m1:, :]), axis=1))
        h = jnp.dot(pooled, w2_ref[...],
                    preferred_element_type=jnp.float32) + b2_ref[...]
        h_ref[...] = h

        @pl.when(pl.program_id(0) == 0)
        def _init():
            stats_ref[...] = jnp.zeros_like(stats_ref)

        stats_ref[0:1, :] = stats_ref[0:1, :] + jnp.sum(h, axis=0, keepdims=True)
        stats_ref[1:2, :] = stats_ref[1:2, :] + jnp.sum(h * h, axis=0,
                                                        keepdims=True)

    return pl.pallas_call(
        body,
        grid=(grid,),
        in_specs=[
            pl.BlockSpec((block_n, d), lambda i: (i, 0)),
            pl.BlockSpec((block_n * m, d), lambda i: (i, 0)),
            pl.BlockSpec((block_n, m, de), lambda i: (i, 0, 0)),
            pl.BlockSpec((d, h2), lambda i: (0, 0)),
            pl.BlockSpec((d, h2), lambda i: (0, 0)),
            pl.BlockSpec((de, h2), lambda i: (0, 0)),
            pl.BlockSpec((1, h2), lambda i: (0, 0)),
            pl.BlockSpec((h2, d), lambda i: (0, 0)),
            pl.BlockSpec((1, d), lambda i: (0, 0)),
        ],
        out_specs=[
            pl.BlockSpec((block_n, d), lambda i: (i, 0)),
            pl.BlockSpec((8, 128), lambda i: (0, 0)),
        ],
        out_shape=[
            jax.ShapeDtypeStruct((n, d), jnp.float32),
            jax.ShapeDtypeStruct((8, 128), jnp.float32),
        ],
    )(atom, g2, nbr3, w1s_t, w1n_t, w1e_t, b1r, w2_t, b2r)


def _tc_finalize(h, atom, stats, gamma_r, beta_r, block_n):
    n, d = atom.shape
    k_stats = stats.shape[0] // 8
    grid = n // block_n
    n_f = float(n)

    def body(h_ref, atom_ref, stats_ref, gamma_ref, beta_ref, out_ref):
        st = stats_ref[0:8, :]
        for k in range(1, k_stats):
            st = st + stats_ref[k * 8:(k + 1) * 8, :]
        mean = st[0:1, :] / n_f
        ex2 = st[1:2, :] / n_f
        var = ex2 - mean * mean
        scale = gamma_ref[...] * lax.rsqrt(var + 1e-5)
        out_ref[...] = _softplus(
            atom_ref[...] + (h_ref[...] - mean) * scale + beta_ref[...])

    return pl.pallas_call(
        body,
        grid=(grid,),
        in_specs=[
            pl.BlockSpec((block_n, d), lambda i: (i, 0)),
            pl.BlockSpec((block_n, d), lambda i: (i, 0)),
            pl.BlockSpec((8 * k_stats, 128), lambda i: (0, 0)),
            pl.BlockSpec((1, d), lambda i: (0, 0)),
            pl.BlockSpec((1, d), lambda i: (0, 0)),
        ],
        out_specs=pl.BlockSpec((block_n, d), lambda i: (i, 0)),
        out_shape=jax.ShapeDtypeStruct((n, d), jnp.float32),
    )(h, atom, stats, gamma_r, beta_r)


def kernel(atom_in_fea, nbr_fea, nbr_fea_idx, W1, b1, W2, b2, gamma, beta):
    n, m = nbr_fea_idx.shape
    d = atom_in_fea.shape[1]
    de = nbr_fea.shape[2]

    w1s_t = W1[:, :d].T
    w1n_t = W1[:, d:2 * d].T
    w1e_t = W1[:, 2 * d:].T
    b1r = b1.reshape(1, -1)
    w2_t = W2.T
    b2r = b2.reshape(1, -1)

    n_split = 1
    nk = n // n_split
    block_n = 400
    g_list = []
    for k in range(n_split):
        sl = slice(k * nk, (k + 1) * nk)
        n_chunks = (nk * m) // (_NW * _CHUNK)
        idx3 = nbr_fea_idx[sl].reshape(_NW, n_chunks, _CHUNK)
        g_list.append(_sc_gather(atom_in_fea, idx3))
    h_list, stats_list = [], []
    for k in range(n_split):
        sl = slice(k * nk, (k + 1) * nk)
        h_k, stats_k = _tc_main(atom_in_fea[sl], g_list[k], nbr_fea[sl],
                                w1s_t, w1n_t, w1e_t, b1r, w2_t, b2r, block_n)
        h_list.append(h_k)
        stats_list.append(stats_k)
    h = jnp.concatenate(h_list, axis=0)
    stats = jnp.concatenate(stats_list, axis=0)
    out = _tc_finalize(h, atom_in_fea, stats, gamma.reshape(1, -1),
                       beta.reshape(1, -1), block_n)
    return out

# --- scband reference (transcript-rebuilt; emitter-appended) ---
"""Pipeline reference for scband-conv-layer-64115271795212 (READ-ONLY COPY).

The authoritative reference and input builder live on the scoring server;
editing this copy changes nothing except your own understanding.
"""

import jax, jax.numpy as jnp
import numpy as np

N = 10000
M = 32
D = 128   # atom_fea_len
DE = 16   # nbr_fea_len


def setup_inputs(seed: int = 0) -> dict:
    key = jax.random.key(seed)
    ks = jax.random.split(key, 8)
    atom_in_fea = jax.random.normal(ks[0], (N, D), dtype=jnp.float32)
    nbr_fea = jax.random.normal(ks[1], (N, M, DE), dtype=jnp.float32)
    nbr_fea_idx = jax.random.randint(ks[2], (N, M), 0, N, dtype=jnp.int32)
    # fc_full_1: Linear(2*D + DE -> 2*D)
    W1 = jax.random.normal(ks[3], (2 * D, 2 * D + DE), dtype=jnp.float32) * 0.05
    b1 = jnp.zeros((2 * D,), dtype=jnp.float32)
    # fc_full_2: Linear(2*D -> D)
    W2 = jax.random.normal(ks[4], (D, 2 * D), dtype=jnp.float32) * 0.05
    b2 = jnp.zeros((D,), dtype=jnp.float32)
    # bn1: BatchNorm1d(D) affine params (training-mode batch stats used in forward)
    gamma = jnp.ones((D,), dtype=jnp.float32)
    beta = jnp.zeros((D,), dtype=jnp.float32)
    return {
        "atom_in_fea": atom_in_fea,
        "nbr_fea": nbr_fea,
        "nbr_fea_idx": nbr_fea_idx,
        "W1": W1,
        "b1": b1,
        "W2": W2,
        "b2": b2,
        "gamma": gamma,
        "beta": beta,
    }


def reference(atom_in_fea, nbr_fea, nbr_fea_idx, W1, b1, W2, b2, gamma, beta):
    n, m = nbr_fea_idx.shape
    m1 = m // 2
    d = atom_in_fea.shape[1]
    # gather neighbor atom features: [N, M, D]
    atom_nbr_fea = jnp.take(atom_in_fea, nbr_fea_idx, axis=0)
    # expand self features: [N, M1, D]
    atom_in_fea_u = jnp.broadcast_to(atom_in_fea[:, None, :], (n, m1, d))
    # chunk along neighbor dim
    atom_nbr_fea_1 = atom_nbr_fea[:, :m1, :]
    atom_nbr_fea_2 = atom_nbr_fea[:, m1:, :]
    nbr_fea_1 = nbr_fea[:, :m1, :]
    nbr_fea_2 = nbr_fea[:, m1:, :]
    update_nbr_fea_1 = jnp.concatenate([atom_in_fea_u, atom_nbr_fea_1, nbr_fea_1], axis=2)
    update_nbr_fea_2 = jnp.concatenate([atom_in_fea_u, atom_nbr_fea_2, nbr_fea_2], axis=2)
    total_gated_fea_1 = update_nbr_fea_1 @ W1.T + b1
    total_gated_fea_2 = update_nbr_fea_2 @ W1.T + b1
    total_gated_fea_1 = jax.nn.relu(total_gated_fea_1)
    total_gated_fea_2 = jax.nn.softplus(total_gated_fea_2)
    total_gated_fea = jnp.concatenate([total_gated_fea_1, total_gated_fea_2], axis=1)
    nbr_sumed = jnp.sum(total_gated_fea, axis=1)
    nbr_sumed = nbr_sumed @ W2.T + b2
    # BatchNorm1d in training mode: batch statistics, biased variance, eps=1e-5
    mean = jnp.mean(nbr_sumed, axis=0)
    var = jnp.mean((nbr_sumed - mean) ** 2, axis=0)
    nbr_sumed = (nbr_sumed - mean) / jnp.sqrt(var + 1e-5) * gamma + beta
    out = jax.nn.softplus(atom_in_fea + nbr_sumed)
    return out


if False:  # reference __main__ guard neutralized (emitter)
    inp = setup_inputs()
    o = reference(**inp)
    print(o.shape)

if __name__ == "__main__":
    import jax
    _d = setup_inputs()
    print(jax.jit(kernel)(*tuple(_d.values())))

</pallas_src>

<mosaic_0001>
#map = affine_map<(d0, d1) -> (0, 0)>
#map1 = affine_map<(d0, d1) -> (0, 0, 0)>
module attributes {stable_mosaic.version = 14 : i64} {
  func.func @gather_kernel(%arg0: i32, %arg1: i32, %arg2: memref<10000x128xf32, #tpu.memory_space<hbm>>, %arg3: memref<32x125x80xi32, #tpu.memory_space<hbm>>, %arg4: memref<320000x128xf32, #tpu.memory_space<hbm>>, %arg5: memref<125x80xi32, #tpu.memory_space<vmem>>, %arg6: memref<80x128xf32, #tpu.memory_space<vmem>>, %arg7: memref<80x128xf32, #tpu.memory_space<vmem>>, %arg8: memref<80x128xf32, #tpu.memory_space<vmem>>, %arg9: memref<80x128xf32, #tpu.memory_space<vmem>>, %arg10: memref<80x128xf32, #tpu.memory_space<vmem>>, %arg11: memref<80x128xf32, #tpu.memory_space<vmem>>, %arg12: memref<!tpu.dma_semaphore, #tpu.memory_space<semaphore_mem>>, %arg13: memref<!tpu.dma_semaphore, #tpu.memory_space<semaphore_mem>>, %arg14: memref<!tpu.dma_semaphore, #tpu.memory_space<semaphore_mem>>, %arg15: memref<!tpu.dma_semaphore, #tpu.memory_space<semaphore_mem>>, %arg16: memref<!tpu.dma_semaphore, #tpu.memory_space<semaphore_mem>>, %arg17: memref<!tpu.dma_semaphore, #tpu.memory_space<semaphore_mem>>, %arg18: memref<!tpu.dma_semaphore, #tpu.memory_space<semaphore_mem>>, %arg19: memref<!tpu.dma_semaphore, #tpu.memory_space<semaphore_mem>>, %arg20: memref<!tpu.dma_semaphore, #tpu.memory_space<semaphore_mem>>, %arg21: memref<!tpu.dma_semaphore, #tpu.memory_space<semaphore_mem>>, %arg22: memref<!tpu.dma_semaphore, #tpu.memory_space<semaphore_mem>>, %arg23: memref<!tpu.dma_semaphore, #tpu.memory_space<semaphore_mem>>) attributes {dimension_semantics = [#tpu.dimension_semantics<core_parallel>, #tpu.dimension_semantics<subcore_parallel>], iteration_bounds = array<i64: 2, 16>, scalar_prefetch = 0 : i64, scratch_operands = 19 : i64, tpu.core_type = #tpu.core_type<sc_vector_subcore>, window_params = [{transform_indices = #map}, {transform_indices = #map1}, {transform_indices = #map}]} {
    %mul3A = arith.constant 2 : i32
    %mul3A_0 = arith.muli %arg1, %mul3A : i32
    %add3A = arith.addi %mul3A_0, %arg0 : i32
    %mul3A_1 = arith.constant 10000 : i32
    %mul3A_2 = arith.muli %add3A, %mul3A_1 : i32
    %multiple_of3A = tpu.assume_multiple %mul3A_2, 8 : i32
    "tpu.region"() ({
      %run_scoped3A = tpu.sem_alloc : memref<!tpu.dma_semaphore, #tpu.memory_space<semaphore_mem>>
      %dma_start3A_314 = arith.constant 0 : i32
      %dma_start3A_315 = arith.constant 0 : i32
      %dma_start3A_316 = tpu.memref_slice %arg3[%add3A, %dma_start3A_314, %dma_start3A_315] : memref<32x125x80xi32, #tpu.memory_space<hbm>> -> memref<1x125x80xi32, #tpu.memory_space<hbm>>
      %dma_start3A_317 = tpu.memref_squeeze %dma_start3A_316 : memref<1x125x80xi32, #tpu.memory_space<hbm>> -> memref<125x80xi32, #tpu.memory_space<hbm>>
      %dma_start3A_318 = arith.constant 0 : i32
      %dma_start3A_319 = arith.constant 0 : i32
      %dma_start3A_320 = tpu.memref_slice %arg3[%add3A, %dma_start3A_318, %dma_start3A_319] : memref<32x125x80xi32, #tpu.memory_space<hbm>> -> memref<1x125x80xi32, #tpu.memory_space<hbm>>
      %dma_start3A_321 = tpu.memref_squeeze %dma_start3A_320 : memref<1x125x80xi32, #tpu.memory_space<hbm>> -> memref<125x80xi32, #tpu.memory_space<hbm>>
      tpu.enqueue_dma source(%dma_start3A_321 : memref<125x80xi32, #tpu.memory_space<hbm>>) target(%arg5 : memref<125x80xi32, #tpu.memory_space<vmem>>) target_semaphore(%run_scoped3A : memref<!tpu.dma_semaphore, #tpu.memory_space<semaphore_mem>>)
      %dma_wait3A_322 = arith.constant 0 : i32
      %dma_wait3A_323 = arith.constant 0 : i32
      %dma_wait3A_324 = tpu.memref_slice %arg3[%add3A, %dma_wait3A_322, %dma_wait3A_323] : memref<32x125x80xi32, #tpu.memory_space<hbm>> -> memref<1x125x80xi32, #tpu.memory_space<hbm>>
      %dma_wait3A_325 = tpu.memref_squeeze %dma_wait3A_324 : memref<1x125x80xi32, #tpu.memory_space<hbm>> -> memref<125x80xi32, #tpu.memory_space<hbm>>
      %dma_wait3A_326 = arith.constant 0 : i32
      %dma_wait3A_327 = arith.constant 0 : i32
      %dma_wait3A_328 = tpu.memref_slice %arg3[%add3A, %dma_wait3A_326, %dma_wait3A_327] : memref<32x125x80xi32, #tpu.memory_space<hbm>> -> memref<1x125x80xi32, #tpu.memory_space<hbm>>
      %dma_wait3A_329 = tpu.memref_squeeze %dma_wait3A_328 : memref<1x125x80xi32, #tpu.memory_space<hbm>> -> memref<125x80xi32, #tpu.memory_space<hbm>>
      tpu.wait_dma2 semaphore(%run_scoped3A : memref<!tpu.dma_semaphore, #tpu.memory_space<semaphore_mem>>) src(%dma_wait3A_329 : memref<125x80xi32, #tpu.memory_space<hbm>>) dst(%arg5 : memref<125x80xi32, #tpu.memory_space<vmem>>)
      tpu.yield
    }) : () -> ()
    %dma_start3A = arith.constant 0 : i32
    %dma_start3A_3 = arith.constant 0 : i32
    %dma_start3A_4 = tpu.memref_slice %arg5[%dma_start3A, %dma_start3A_3] : memref<125x80xi32, #tpu.memory_space<vmem>> -> memref<1x80xi32, #tpu.memory_space<vmem>>
    %dma_start3A_5 = tpu.memref_squeeze %dma_start3A_4 : memref<1x80xi32, #tpu.memory_space<vmem>> -> memref<80xi32, #tpu.memory_space<vmem>>
    %dma_start3A_6 = arith.constant 0 : i32
    %dma_start3A_7 = arith.constant 0 : i32
    %dma_start3A_8 = tpu.memref_slice %arg2[%dma_start3A_6, %dma_start3A_7] : memref<10000x128xf32, #tpu.memory_space<hbm>> -> memref<10000x128xf32, #tpu.memory_space<hbm>>
    tpu.enqueue_indirect_dma source(%dma_start3A_8 : memref<10000x128xf32, #tpu.memory_space<hbm>>) target(%arg6 : memref<80x128xf32, #tpu.memory_space<vmem>>) offsets(%dma_start3A_5 : memref<80xi32, #tpu.memory_space<vmem>>) semaphore(%arg12 : memref<!tpu.dma_semaphore, #tpu.memory_space<semaphore_mem>>)
    %dma_start3A_9 = arith.constant 1 : i32
    %dma_start3A_10 = arith.constant 0 : i32
    %dma_start3A_11 = tpu.memref_slice %arg5[%dma_start3A_9, %dma_start3A_10] : memref<125x80xi32, #tpu.memory_space<vmem>> -> memref<1x80xi32, #tpu.memory_space<vmem>>
    %dma_start3A_12 = tpu.memref_squeeze %dma_start3A_11 : memref<1x80xi32, #tpu.memory_space<vmem>> -> memref<80xi32, #tpu.memory_space<vmem>>
    %dma_start3A_13 = arith.constant 0 : i32
    %dma_start3A_14 = arith.constant 0 : i32
    %dma_start3A_15 = tpu.memref_slice %arg2[%dma_start3A_13, %dma_start3A_14] : memref<10000x128xf32, #tpu.memory_space<hbm>> -> memref<10000x128xf32, #tpu.memory_space<hbm>>
    tpu.enqueue_indirect_dma source(%dma_start3A_15 : memref<10000x128xf32, #tpu.memory_space<hbm>>) target(%arg7 : memref<80x128xf32, #tpu.memory_space<vmem>>) offsets(%dma_start3A_12 : memref<80xi32, #tpu.memory_space<vmem>>) semaphore(%arg13 : memref<!tpu.dma_semaphore, #tpu.memory_space<semaphore_mem>>)
    %dma_start3A_16 = arith.constant 2 : i32
    %dma_start3A_17 = arith.constant 0 : i32
    %dma_start3A_18 = tpu.memref_slice %arg5[%dma_start3A_16, %dma_start3A_17] : memref<125x80xi32, #tpu.memory_space<vmem>> -> memref<1x80xi32, #tpu.memory_space<vmem>>
    %dma_start3A_19 = tpu.memref_squeeze %dma_start3A_18 : memref<1x80xi32, #tpu.memory_space<vmem>> -> memref<80xi32, #tpu.memory_space<vmem>>
    %dma_start3A_20 = arith.constant 0 : i32
    %dma_start3A_21 = arith.constant 0 : i32
    %dma_start3A_22 = tpu.memref_slice %arg2[%dma_start3A_20, %dma_start3A_21] : memref<10000x128xf32, #tpu.memory_space<hbm>> -> memref<10000x128xf32, #tpu.memory_space<hbm>>
    tpu.enqueue_indirect_dma source(%dma_start3A_22 : memref<10000x128xf32, #tpu.memory_space<hbm>>) target(%arg8 : memref<80x128xf32, #tpu.memory_space<vmem>>) offsets(%dma_start3A_19 : memref<80xi32, #tpu.memory_space<vmem>>) semaphore(%arg14 : memref<!tpu.dma_semaphore, #tpu.memory_space<semaphore_mem>>)
    %dma_start3A_23 = arith.constant 3 : i32
    %dma_start3A_24 = arith.constant 0 : i32
    %dma_start3A_25 = tpu.memref_slice %arg5[%dma_start3A_23, %dma_start3A_24] : memref<125x80xi32, #tpu.memory_space<vmem>> -> memref<1x80xi32, #tpu.memory_space<vmem>>
    %dma_start3A_26 = tpu.memref_squeeze %dma_start3A_25 : memref<1x80xi32, #tpu.memory_space<vmem>> -> memref<80xi32, #tpu.memory_space<vmem>>
    %dma_start3A_27 = arith.constant 0 : i32
    %dma_start3A_28 = arith.constant 0 : i32
    %dma_start3A_29 = tpu.memref_slice %arg2[%dma_start3A_27, %dma_start3A_28] : memref<10000x128xf32, #tpu.memory_space<hbm>> -> memref<10000x128xf32, #tpu.memory_space<hbm>>
    tpu.enqueue_indirect_dma source(%dma_start3A_29 : memref<10000x128xf32, #tpu.memory_space<hbm>>) target(%arg9 : memref<80x128xf32, #tpu.memory_space<vmem>>) offsets(%dma_start3A_26 : memref<80xi32, #tpu.memory_space<vmem>>) semaphore(%arg15 : memref<!tpu.dma_semaphore, #tpu.memory_space<semaphore_mem>>)
    %dma_wait3A = arith.constant 0 : i32
    %dma_wait3A_30 = arith.constant 0 : i32
    %dma_wait3A_31 = tpu.memref_slice %arg5[%dma_wait3A, %dma_wait3A_30] : memref<125x80xi32, #tpu.memory_space<vmem>> -> memref<1x80xi32, #tpu.memory_space<vmem>>
    %dma_wait3A_32 = tpu.memref_squeeze %dma_wait3A_31 : memref<1x80xi32, #tpu.memory_space<vmem>> -> memref<80xi32, #tpu.memory_space<vmem>>
    %dma_wait3A_33 = arith.constant 0 : i32
    %dma_wait3A_34 = arith.constant 0 : i32
    %dma_wait3A_35 = tpu.memref_slice %arg2[%dma_wait3A_33, %dma_wait3A_34] : memref<10000x128xf32, #tpu.memory_space<hbm>> -> memref<10000x128xf32, #tpu.memory_space<hbm>>
    tpu.wait_indirect_dma semaphore(%arg12 : memref<!tpu.dma_semaphore, #tpu.memory_space<semaphore_mem>>) src(%dma_wait3A_35 : memref<10000x128xf32, #tpu.memory_space<hbm>>) dst(%arg6 : memref<80x128xf32, #tpu.memory_space<vmem>>)
    %add3A_36 = arith.constant 0 : i32
    %add3A_37 = arith.addi %multiple_of3A, %add3A_36 : i32
    %multiple_of3A_38 = tpu.assume_multiple %add3A_37, 8 : i32
    %dma_start3A_39 = arith.constant 0 : i32
    %dma_start3A_40 = tpu.memref_slice %arg4[%multiple_of3A_38, %dma_start3A_39] : memref<320000x128xf32, #tpu.memory_space<hbm>> -> memref<80x128xf32, #tpu.memory_space<hbm>>
    %dma_start3A_41 = arith.constant 0 : i32
    %dma_start3A_42 = tpu.memref_slice %arg4[%multiple_of3A_38, %dma_start3A_41] : memref<320000x128xf32, #tpu.memory_space<hbm>> -> memref<80x128xf32, #tpu.memory_space<hbm>>
    tpu.enqueue_dma source(%arg6 : memref<80x128xf32, #tpu.memory_space<vmem>>) target(%dma_start3A_42 : memref<80x128xf32, #tpu.memory_space<hbm>>) target_semaphore(%arg18 : memref<!tpu.dma_semaphore, #tpu.memory_space<semaphore_mem>>)
    %dma_start3A_43 = arith.constant 4 : i32
    %dma_start3A_44 = arith.constant 0 : i32
    %dma_start3A_45 = tpu.memref_slice %arg5[%dma_start3A_43, %dma_start3A_44] : memref<125x80xi32, #tpu.memory_space<vmem>> -> memref<1x80xi32, #tpu.memory_space<vmem>>
    %dma_start3A_46 = tpu.memref_squeeze %dma_start3A_45 : memref<1x80xi32, #tpu.memory_space<vmem>> -> memref<80xi32, #tpu.memory_space<vmem>>
    %dma_start3A_47 = arith.constant 0 : i32
    %dma_start3A_48 = arith.constant 0 : i32
    %dma_start3A_49 = tpu.memref_slice %arg2[%dma_start3A_47, %dma_start3A_48] : memref<10000x128xf32, #tpu.memory_space<hbm>> -> memref<10000x128xf32, #tpu.memory_space<hbm>>
    tpu.enqueue_indirect_dma source(%dma_start3A_49 : memref<10000x128xf32, #tpu.memory_space<hbm>>) target(%arg10 : memref<80x128xf32, #tpu.memory_space<vmem>>) offsets(%dma_start3A_46 : memref<80xi32, #tpu.memory_space<vmem>>) semaphore(%arg16 : memref<!tpu.dma_semaphore, #tpu.memory_space<semaphore_mem>>)
    %dma_wait3A_50 = arith.constant 1 : i32
    %dma_wait3A_51 = arith.constant 0 : i32
    %dma_wait3A_52 = tpu.memref_slice %arg5[%dma_wait3A_50, %dma_wait3A_51] : memref<125x80xi32, #tpu.memory_space<vmem>> -> memref<1x80xi32, #tpu.memory_space<vmem>>
    %dma_wait3A_53 = tpu.memref_squeeze %dma_wait3A_52 : memref<1x80xi32, #tpu.memory_space<vmem>> -> memref<80xi32, #tpu.memory_space<vmem>>
    %dma_wait3A_54 = arith.constant 0 : i32
    %dma_wait3A_55 = arith.constant 0 : i32
    %dma_wait3A_56 = tpu.memref_slice %arg2[%dma_wait3A_54, %dma_wait3A_55] : memref<10000x128xf32, #tpu.memory_space<hbm>> -> memref<10000x128xf32, #tpu.memory_space<hbm>>
    tpu.wait_indirect_dma semaphore(%arg13 : memref<!tpu.dma_semaphore, #tpu.memory_space<semaphore_mem>>) src(%dma_wait3A_56 : memref<10000x128xf32, #tpu.memory_space<hbm>>) dst(%arg7 : memref<80x128xf32, #tpu.memory_space<vmem>>)
    %add3A_57 = arith.constant 80 : i32
    %add3A_58 = arith.addi %multiple_of3A, %add3A_57 : i32
    %multiple_of3A_59 = tpu.assume_multiple %add3A_58, 8 : i32
    %dma_start3A_60 = arith.constant 0 : i32
    %dma_start3A_61 = tpu.memref_slice %arg4[%multiple_of3A_59, %dma_start3A_60] : memref<320000x128xf32, #tpu.memory_space<hbm>> -> memref<80x128xf32, #tpu.memory_space<hbm>>
    %dma_start3A_62 = arith.constant 0 : i32
    %dma_start3A_63 = tpu.memref_slice %arg4[%multiple_of3A_59, %dma_start3A_62] : memref<320000x128xf32, #tpu.memory_space<hbm>> -> memref<80x128xf32, #tpu.memory_space<hbm>>
    tpu.enqueue_dma source(%arg7 : memref<80x128xf32, #tpu.memory_space<vmem>>) target(%dma_start3A_63 : memref<80x128xf32, #tpu.memory_space<hbm>>) target_semaphore(%arg19 : memref<!tpu.dma_semaphore, #tpu.memory_space<semaphore_mem>>)
    %dma_start3A_64 = arith.constant 5 : i32
    %dma_start3A_65 = arith.constant 0 : i32
    %dma_start3A_66 = tpu.memref_slice %arg5[%dma_start3A_64, %dma_start3A_65] : memref<125x80xi32, #tpu.memory_space<vmem>> -> memref<1x80xi32, #tpu.memory_space<vmem>>
    %dma_start3A_67 = tpu.memref_squeeze %dma_start3A_66 : memref<1x80xi32, #tpu.memory_space<vmem>> -> memref<80xi32, #tpu.memory_space<vmem>>
    %dma_start3A_68 = arith.constant 0 : i32
    %dma_start3A_69 = arith.constant 0 : i32
    %dma_start3A_70 = tpu.memref_slice %arg2[%dma_start3A_68, %dma_start3A_69] : memref<10000x128xf32, #tpu.memory_space<hbm>> -> memref<10000x128xf32, #tpu.memory_space<hbm>>
    tpu.enqueue_indirect_dma source(%dma_start3A_70 : memref<10000x128xf32, #tpu.memory_space<hbm>>) target(%arg11 : memref<80x128xf32, #tpu.memory_space<vmem>>) offsets(%dma_start3A_67 : memref<80xi32, #tpu.memory_space<vmem>>) semaphore(%arg17 : memref<!tpu.dma_semaphore, #tpu.memory_space<semaphore_mem>>)
    %dma_wait3A_71 = arith.constant 2 : i32
    %dma_wait3A_72 = arith.constant 0 : i32
    %dma_wait3A_73 = tpu.memref_slice %arg5[%dma_wait3A_71, %dma_wait3A_72] : memref<125x80xi32, #tpu.memory_space<vmem>> -> memref<1x80xi32, #tpu.memory_space<vmem>>
    %dma_wait3A_74 = tpu.memref_squeeze %dma_wait3A_73 : memref<1x80xi32, #tpu.memory_space<vmem>> -> memref<80xi32, #tpu.memory_space<vmem>>
    %dma_wait3A_75 = arith.constant 0 : i32
    %dma_wait3A_76 = arith.constant 0 : i32
    %dma_wait3A_77 = tpu.memref_slice %arg2[%dma_wait3A_75, %dma_wait3A_76] : memref<10000x128xf32, #tpu.memory_space<hbm>> -> memref<10000x128xf32, #tpu.memory_space<hbm>>
    tpu.wait_indirect_dma semaphore(%arg14 : memref<!tpu.dma_semaphore, #tpu.memory_space<semaphore_mem>>) src(%dma_wait3A_77 : memref<10000x128xf32, #tpu.memory_space<hbm>>) dst(%arg8 : memref<80x128xf32, #tpu.memory_space<vmem>>)
    %add3A_78 = arith.constant 160 : i32
    %add3A_79 = arith.addi %multiple_of3A, %add3A_78 : i32
    %multiple_of3A_80 = tpu.assume_multiple %add3A_79, 8 : i32
    %dma_start3A_81 = arith.constant 0 : i32
    %dma_start3A_82 = tpu.memref_slice %arg4[%multiple_of3A_80, %dma_start3A_81] : memref<320000x128xf32, #tpu.memory_space<hbm>> -> memref<80x128xf32, #tpu.memory_space<hbm>>
    %dma_start3A_83 = arith.constant 0 : i32
    %dma_start3A_84 = tpu.memref_slice %arg4[%multiple_of3A_80, %dma_start3A_83] : memref<320000x128xf32, #tpu.memory_space<hbm>> -> memref<80x128xf32, #tpu.memory_space<hbm>>
    tpu.enqueue_dma source(%arg8 : memref<80x128xf32, #tpu.memory_space<vmem>>) target(%dma_start3A_84 : memref<80x128xf32, #tpu.memory_space<hbm>>) target_semaphore(%arg20 : memref<!tpu.dma_semaphore, #tpu.memory_space<semaphore_mem>>)
    %add3A_85 = arith.constant 0 : i32
    %add3A_86 = arith.addi %multiple_of3A, %add3A_85 : i32
    %multiple_of3A_87 = tpu.assume_multiple %add3A_86, 8 : i32
    %dma_wait3A_88 = arith.constant 0 : i32
    %dma_wait3A_89 = tpu.memref_slice %arg4[%multiple_of3A_87, %dma_wait3A_88] : memref<320000x128xf32, #tpu.memory_space<hbm>> -> memref<80x128xf32, #tpu.memory_space<hbm>>
    %dma_wait3A_90 = arith.constant 0 : i32
    %dma_wait3A_91 = tpu.memref_slice %arg4[%multiple_of3A_87, %dma_wait3A_90] : memref<320000x128xf32, #tpu.memory_space<hbm>> -> memref<80x128xf32, #tpu.memory_space<hbm>>
    tpu.wait_dma2 semaphore(%arg18 : memref<!tpu.dma_semaphore, #tpu.memory_space<semaphore_mem>>) src(%arg6 : memref<80x128xf32, #tpu.memory_space<vmem>>) dst(%dma_wait3A_91 : memref<80x128xf32, #tpu.memory_space<hbm>>)
    %dma_start3A_92 = arith.constant 6 : i32
    %dma_start3A_93 = arith.constant 0 : i32
    %dma_start3A_94 = tpu.memref_slice %arg5[%dma_start3A_92, %dma_start3A_93] : memref<125x80xi32, #tpu.memory_space<vmem>> -> memref<1x80xi32, #tpu.memory_space<vmem>>
    %dma_start3A_95 = tpu.memref_squeeze %dma_start3A_94 : memref<1x80xi32, #tpu.memory_space<vmem>> -> memref<80xi32, #tpu.memory_space<vmem>>
    %dma_start3A_96 = arith.constant 0 : i32
    %dma_start3A_97 = arith.constant 0 : i32
    %dma_start3A_98 = tpu.memref_slice %arg2[%dma_start3A_96, %dma_start3A_97] : memref<10000x128xf32, #tpu.memory_space<hbm>> -> memref<10000x128xf32, #tpu.memory_space<hbm>>
    tpu.enqueue_indirect_dma source(%dma_start3A_98 : memref<10000x128xf32, #tpu.memory_space<hbm>>) target(%arg6 : memref<80x128xf32, #tpu.memory_space<vmem>>) offsets(%dma_start3A_95 : memref<80xi32, #tpu.memory_space<vmem>>) semaphore(%arg12 : memref<!tpu.dma_semaphore, #tpu.memory_space<semaphore_mem>>)
    %dma_wait3A_99 = arith.constant 3 : i32
    %dma_wait3A_100 = arith.constant 0 : i32
    %dma_wait3A_101 = tpu.memref_slice %arg5[%dma_wait3A_99, %dma_wait3A_100] : memref<125x80xi32, #tpu.memory_space<vmem>> -> memref<1x80xi32, #tpu.memory_space<vmem>>
    %dma_wait3A_102 = tpu.memref_squeeze %dma_wait3A_101 : memref<1x80xi32, #tpu.memory_space<vmem>> -> memref<80xi32, #tpu.memory_space<vmem>>
    %dma_wait3A_103 = arith.constant 0 : i32
    %dma_wait3A_104 = arith.constant 0 : i32
    %dma_wait3A_105 = tpu.memref_slice %arg2[%dma_wait3A_103, %dma_wait3A_104] : memref<10000x128xf32, #tpu.memory_space<hbm>> -> memref<10000x128xf32, #tpu.memory_space<hbm>>
    tpu.wait_indirect_dma semaphore(%arg15 : memref<!tpu.dma_semaphore, #tpu.memory_space<semaphore_mem>>) src(%dma_wait3A_105 : memref<10000x128xf32, #tpu.memory_space<hbm>>) dst(%arg9 : memref<80x128xf32, #tpu.memory_space<vmem>>)
    %add3A_106 = arith.constant 240 : i32
    %add3A_107 = arith.addi %multiple_of3A, %add3A_106 : i32
    %multiple_of3A_108 = tpu.assume_multiple %add3A_107, 8 : i32
    %dma_start3A_109 = arith.constant 0 : i32
    %dma_start3A_110 = tpu.memref_slice %arg4[%multiple_of3A_108, %dma_start3A_109] : memref<320000x128xf32, #tpu.memory_space<hbm>> -> memref<80x128xf32, #tpu.memory_space<hbm>>
    %dma_start3A_111 = arith.constant 0 : i32
    %dma_start3A_112 = tpu.memref_slice %arg4[%multiple_of3A_108, %dma_start3A_111] : memref<320000x128xf32, #tpu.memory_space<hbm>> -> memref<80x128xf32, #tpu.memory_space<hbm>>
    tpu.enqueue_dma source(%arg9 : memref<80x128xf32, #tpu.memory_space<vmem>>) target(%dma_start3A_112 : memref<80x128xf32, #tpu.memory_space<hbm>>) target_semaphore(%arg21 : memref<!tpu.dma_semaphore, #tpu.memory_space<semaphore_mem>>)
    %add3A_113 = arith.constant 80 : i32
    %add3A_114 = arith.addi %multiple_of3A, %add3A_113 : i32
    %multiple_of3A_115 = tpu.assume_multiple %add3A_114, 8 : i32
    %dma_wait3A_116 = arith.constant 0 : i32
    %dma_wait3A_117 = tpu.memref_slice %arg4[%multiple_of3A_115, %dma_wait3A_116] : memref<320000x128xf32, #tpu.memory_space<hbm>> -> memref<80x128xf32, #tpu.memory_space<hbm>>
    %dma_wait3A_118 = arith.constant 0 : i32
    %dma_wait3A_119 = tpu.memref_slice %arg4[%multiple_of3A_115, %dma_wait3A_118] : memref<320000x128xf32, #tpu.memory_space<hbm>> -> memref<80x128xf32, #tpu.memory_space<hbm>>
    tpu.wait_dma2 semaphore(%arg19 : memref<!tpu.dma_semaphore, #tpu.memory_space<semaphore_mem>>) src(%arg7 : memref<80x128xf32, #tpu.memory_space<vmem>>) dst(%dma_wait3A_119 : memref<80x128xf32, #tpu.memory_space<hbm>>)
    %dma_start3A_120 = arith.constant 7 : i32
    %dma_start3A_121 = arith.constant 0 : i32
    %dma_start3A_122 = tpu.memref_slice %arg5[%dma_start3A_120, %dma_start3A_121] : memref<125x80xi32, #tpu.memory_space<vmem>> -> memref<1x80xi32, #tpu.memory_space<vmem>>
    %dma_start3A_123 = tpu.memref_squeeze %dma_start3A_122 : memref<1x80xi32, #tpu.memory_space<vmem>> -> memref<80xi32, #tpu.memory_space<vmem>>
    %dma_start3A_124 = arith.constant 0 : i32
    %dma_start3A_125 = arith.constant 0 : i32
    %dma_start3A_126 = tpu.memref_slice %arg2[%dma_start3A_124, %dma_start3A_125] : memref<10000x128xf32, #tpu.memory_space<hbm>> -> memref<10000x128xf32, #tpu.memory_space<hbm>>
    tpu.enqueue_indirect_dma source(%dma_start3A_126 : memref<10000x128xf32, #tpu.memory_space<hbm>>) target(%arg7 : memref<80x128xf32, #tpu.memory_space<vmem>>) offsets(%dma_start3A_123 : memref<80xi32, #tpu.memory_space<vmem>>) semaphore(%arg13 : memref<!tpu.dma_semaphore, #tpu.memory_space<semaphore_mem>>)
    %dma_wait3A_127 = arith.constant 4 : i32
    %dma_wait3A_128 = arith.constant 0 : i32
    %dma_wait3A_129 = tpu.memref_slice %arg5[%dma_wait3A_127, %dma_wait3A_128] : memref<125x80xi32, #tpu.memory_space<vmem>> -> memref<1x80xi32, #tpu.memory_space<vmem>>
    %dma_wait3A_130 = tpu.memref_squeeze %dma_wait3A_129 : memref<1x80xi32, #tpu.memory_space<vmem>> -> memref<80xi32, #tpu.memory_space<vmem>>
    %dma_wait3A_131 = arith.constant 0 : i32
    %dma_wait3A_132 = arith.constant 0 : i32
    %dma_wait3A_133 = tpu.memref_slice %arg2[%dma_wait3A_131, %dma_wait3A_132] : memref<10000x128xf32, #tpu.memory_space<hbm>> -> memref<10000x128xf32, #tpu.memory_space<hbm>>
    tpu.wait_indirect_dma semaphore(%arg16 : memref<!tpu.dma_semaphore, #tpu.memory_space<semaphore_mem>>) src(%dma_wait3A_133 : memref<10000x128xf32, #tpu.memory_space<hbm>>) dst(%arg10 : memref<80x128xf32, #tpu.memory_space<vmem>>)
    %add3A_134 = arith.constant 320 : i32
    %add3A_135 = arith.addi %multiple_of3A, %add3A_134 : i32
    %multiple_of3A_136 = tpu.assume_multiple %add3A_135, 8 : i32
    %dma_start3A_137 = arith.constant 0 : i32
    %dma_start3A_138 = tpu.memref_slice %arg4[%multiple_of3A_136, %dma_start3A_137] : memref<320000x128xf32, #tpu.memory_space<hbm>> -> memref<80x128xf32, #tpu.memory_space<hbm>>
    %dma_start3A_139 = arith.constant 0 : i32
    %dma_start3A_140 = tpu.memref_slice %arg4[%multiple_of3A_136, %dma_start3A_139] : memref<320000x128xf32, #tpu.memory_space<hbm>> -> memref<80x128xf32, #tpu.memory_space<hbm>>
    tpu.enqueue_dma source(%arg10 : memref<80x128xf32, #tpu.memory_space<vmem>>) target(%dma_start3A_140 : memref<80x128xf32, #tpu.memory_space<hbm>>) target_semaphore(%arg22 : memref<!tpu.dma_semaphore, #tpu.memory_space<semaphore_mem>>)
    %scan3A = arith.constant 0 : i32
    %scan3A_141 = arith.constant 0 : i32
    %scan3A_142 = arith.constant 19 : i32
    %scan3A_143 = arith.addi %scan3A_141, %scan3A_142 : i32
    %scan3A_144 = arith.constant 1 : i32
    scf.for %scan3A_314 = %scan3A_141 to %scan3A_143 step %scan3A_144  : i32 {
      %mul3A_315 = arith.constant 6 : i32
      %mul3A_316 = arith.muli %scan3A_314, %mul3A_315 : i32
      %add3A_317 = arith.constant 5 : i32
      %add3A_318 = arith.addi %add3A_317, %mul3A_316 : i32
      %add3A_319 = arith.constant 0 : i32
      %add3A_320 = arith.addi %add3A_318, %add3A_319 : i32
      %sub3A = arith.constant 3 : i32
      %sub3A_321 = arith.subi %add3A_320, %sub3A : i32
      %mul3A_322 = arith.constant 80 : i32
      %mul3A_323 = arith.muli %sub3A_321, %mul3A_322 : i32
      %add3A_324 = arith.addi %multiple_of3A, %mul3A_323 : i32
      %multiple_of3A_325 = tpu.assume_multiple %add3A_324, 8 : i32
      %dma_wait3A_326 = arith.constant 0 : i32
      %dma_wait3A_327 = tpu.memref_slice %arg4[%multiple_of3A_325, %dma_wait3A_326] : memref<320000x128xf32, #tpu.memory_space<hbm>> -> memref<80x128xf32, #tpu.memory_space<hbm>>
      %dma_wait3A_328 = arith.constant 0 : i32
      %dma_wait3A_329 = tpu.memref_slice %arg4[%multiple_of3A_325, %dma_wait3A_328] : memref<320000x128xf32, #tpu.memory_space<hbm>> -> memref<80x128xf32, #tpu.memory_space<hbm>>
      tpu.wait_dma2 semaphore(%arg20 : memref<!tpu.dma_semaphore, #tpu.memory_space<semaphore_mem>>) src(%arg8 : memref<80x128xf32, #tpu.memory_space<vmem>>) dst(%dma_wait3A_329 : memref<80x128xf32, #tpu.memory_space<hbm>>)
      %add3A_330 = arith.constant 3 : i32
      %add3A_331 = arith.addi %add3A_320, %add3A_330 : i32
      %dma_start3A_332 = arith.constant 0 : i32
      %dma_start3A_333 = tpu.memref_slice %arg5[%add3A_331, %dma_start3A_332] : memref<125x80xi32, #tpu.memory_space<vmem>> -> memref<1x80xi32, #tpu.memory_space<vmem>>
      %dma_start3A_334 = tpu.memref_squeeze %dma_start3A_333 : memref<1x80xi32, #tpu.memory_space<vmem>> -> memref<80xi32, #tpu.memory_space<vmem>>
      %dma_start3A_335 = arith.constant 0 : i32
      %dma_start3A_336 = arith.constant 0 : i32
      %dma_start3A_337 = tpu.memref_slice %arg2[%dma_start3A_335, %dma_start3A_336] : memref<10000x128xf32, #tpu.memory_space<hbm>> -> memref<10000x128xf32, #tpu.memory_space<hbm>>
      tpu.enqueue_indirect_dma source(%dma_start3A_337 : memref<10000x128xf32, #tpu.memory_space<hbm>>) target(%arg8 : memref<80x128xf32, #tpu.memory_space<vmem>>) offsets(%dma_start3A_334 : memref<80xi32, #tpu.memory_space<vmem>>) semaphore(%arg14 : memref<!tpu.dma_semaphore, #tpu.memory_space<semaphore_mem>>)
      %dma_wait3A_338 = arith.constant 0 : i32
      %dma_wait3A_339 = tpu.memref_slice %arg5[%add3A_320, %dma_wait3A_338] : memref<125x80xi32, #tpu.memory_space<vmem>> -> memref<1x80xi32, #tpu.memory_space<vmem>>
      %dma_wait3A_340 = tpu.memref_squeeze %dma_wait3A_339 : memref<1x80xi32, #tpu.memory_space<vmem>> -> memref<80xi32, #tpu.memory_space<vmem>>
      %dma_wait3A_341 = arith.constant 0 : i32
      %dma_wait3A_342 = arith.constant 0 : i32
      %dma_wait3A_343 = tpu.memref_slice %arg2[%dma_wait3A_341, %dma_wait3A_342] : memref<10000x128xf32, #tpu.memory_space<hbm>> -> memref<10000x128xf32, #tpu.memory_space<hbm>>
      tpu.wait_indirect_dma semaphore(%arg17 : memref<!tpu.dma_semaphore, #tpu.memory_space<semaphore_mem>>) src(%dma_wait3A_343 : memref<10000x128xf32, #tpu.memory_space<hbm>>) dst(%arg11 : memref<80x128xf32, #tpu.memory_space<vmem>>)
      %mul3A_344 = arith.constant 80 : i32
      %mul3A_345 = arith.muli %add3A_320, %mul3A_344 : i32
      %add3A_346 = arith.addi %multiple_of3A, %mul3A_345 : i32
      %multiple_of3A_347 = tpu.assume_multiple %add3A_346, 8 : i32
      %dma_start3A_348 = arith.constant 0 : i32
      %dma_start3A_349 = tpu.memref_slice %arg4[%multiple_of3A_347, %dma_start3A_348] : memref<320000x128xf32, #tpu.memory_space<hbm>> -> memref<80x128xf32, #tpu.memory_space<hbm>>
      %dma_start3A_350 = arith.constant 0 : i32
      %dma_start3A_351 = tpu.memref_slice %arg4[%multiple_of3A_347, %dma_start3A_350] : memref<320000x128xf32, #tpu.memory_space<hbm>> -> memref<80x128xf32, #tpu.memory_space<hbm>>
      tpu.enqueue_dma source(%arg11 : memref<80x128xf32, #tpu.memory_space<vmem>>) target(%dma_start3A_351 : memref<80x128xf32, #tpu.memory_space<hbm>>) target_semaphore(%arg23 : memref<!tpu.dma_semaphore, #tpu.memory_space<semaphore_mem>>)
      %mul3A_352 = arith.constant 6 : i32
      %mul3A_353 = arith.muli %scan3A_314, %mul3A_352 : i32
      %add3A_354 = arith.constant 5 : i32
      %add3A_355 = arith.addi %add3A_354, %mul3A_353 : i32
      %add3A_356 = arith.constant 1 : i32
      %add3A_357 = arith.addi %add3A_355, %add3A_356 : i32
      %sub3A_358 = arith.constant 3 : i32
      %sub3A_359 = arith.subi %add3A_357, %sub3A_358 : i32
      %mul3A_360 = arith.constant 80 : i32
      %mul3A_361 = arith.muli %sub3A_359, %mul3A_360 : i32
      %add3A_362 = arith.addi %multiple_of3A, %mul3A_361 : i32
      %multiple_of3A_363 = tpu.assume_multiple %add3A_362, 8 : i32
      %dma_wait3A_364 = arith.constant 0 : i32
      %dma_wait3A_365 = tpu.memref_slice %arg4[%multiple_of3A_363, %dma_wait3A_364] : memref<320000x128xf32, #tpu.memory_space<hbm>> -> memref<80x128xf32, #tpu.memory_space<hbm>>
      %dma_wait3A_366 = arith.constant 0 : i32
      %dma_wait3A_367 = tpu.memref_slice %arg4[%multiple_of3A_363, %dma_wait3A_366] : memref<320000x128xf32, #tpu.memory_space<hbm>> -> memref<80x128xf32, #tpu.memory_space<hbm>>
      tpu.wait_dma2 semaphore(%arg21 : memref<!tpu.dma_semaphore, #tpu.memory_space<semaphore_mem>>) src(%arg9 : memref<80x128xf32, #tpu.memory_space<vmem>>) dst(%dma_wait3A_367 : memref<80x128xf32, #tpu.memory_space<hbm>>)
      %add3A_368 = arith.constant 3 : i32
      %add3A_369 = arith.addi %add3A_357, %add3A_368 : i32
      %dma_start3A_370 = arith.constant 0 : i32
      %dma_start3A_371 = tpu.memref_slice %arg5[%add3A_369, %dma_start3A_370] : memref<125x80xi32, #tpu.memory_space<vmem>> -> memref<1x80xi32, #tpu.memory_space<vmem>>
      %dma_start3A_372 = tpu.memref_squeeze %dma_start3A_371 : memref<1x80xi32, #tpu.memory_space<vmem>> -> memref<80xi32, #tpu.memory_space<vmem>>
      %dma_start3A_373 = arith.constant 0 : i32
      %dma_start3A_374 = arith.constant 0 : i32
      %dma_start3A_375 = tpu.memref_slice %arg2[%dma_start3A_373, %dma_start3A_374] : memref<10000x128xf32, #tpu.memory_space<hbm>> -> memref<10000x128xf32, #tpu.memory_space<hbm>>
      tpu.enqueue_indirect_dma source(%dma_start3A_375 : memref<10000x128xf32, #tpu.memory_space<hbm>>) target(%arg9 : memref<80x128xf32, #tpu.memory_space<vmem>>) offsets(%dma_start3A_372 : memref<80xi32, #tpu.memory_space<vmem>>) semaphore(%arg15 : memref<!tpu.dma_semaphore, #tpu.memory_space<semaphore_mem>>)
      %dma_wait3A_376 = arith.constant 0 : i32
      %dma_wait3A_377 = tpu.memref_slice %arg5[%add3A_357, %dma_wait3A_376] : memref<125x80xi32, #tpu.memory_space<vmem>> -> memref<1x80xi32, #tpu.memory_space<vmem>>
      %dma_wait3A_378 = tpu.memref_squeeze %dma_wait3A_377 : memref<1x80xi32, #tpu.memory_space<vmem>> -> memref<80xi32, #tpu.memory_space<vmem>>
      %dma_wait3A_379 = arith.constant 0 : i32
      %dma_wait3A_380 = arith.constant 0 : i32
      %dma_wait3A_381 = tpu.memref_slice %arg2[%dma_wait3A_379, %dma_wait3A_380] : memref<10000x128xf32, #tpu.memory_space<hbm>> -> memref<10000x128xf32, #tpu.memory_space<hbm>>
      tpu.wait_indirect_dma semaphore(%arg12 : memref<!tpu.dma_semaphore, #tpu.memory_space<semaphore_mem>>) src(%dma_wait3A_381 : memref<10000x128xf32, #tpu.memory_space<hbm>>) dst(%arg6 : memref<80x128xf32, #tpu.memory_space<vmem>>)
      %mul3A_382 = arith.constant 80 : i32
      %mul3A_383 = arith.muli %add3A_357, %mul3A_382 : i32
      %add3A_384 = arith.addi %multiple_of3A, %mul3A_383 : i32
      %multiple_of3A_385 = tpu.assume_multiple %add3A_384, 8 : i32
      %dma_start3A_386 = arith.constant 0 : i32
      %dma_start3A_387 = tpu.memref_slice %arg4[%multiple_of3A_385, %dma_start3A_386] : memref<320000x128xf32, #tpu.memory_space<hbm>> -> memref<80x128xf32, #tpu.memory_space<hbm>>
      %dma_start3A_388 = arith.constant 0 : i32
      %dma_start3A_389 = tpu.memref_slice %arg4[%multiple_of3A_385, %dma_start3A_388] : memref<320000x128xf32, #tpu.memory_space<hbm>> -> memref<80x128xf32, #tpu.memory_space<hbm>>
      tpu.enqueue_dma source(%arg6 : memref<80x128xf32, #tpu.memory_space<vmem>>) target(%dma_start3A_389 : memref<80x128xf32, #tpu.memory_space<hbm>>) target_semaphore(%arg18 : memref<!tpu.dma_semaphore, #tpu.memory_space<semaphore_mem>>)
      %mul3A_390 = arith.constant 6 : i32
      %mul3A_391 = arith.muli %scan3A_314, %mul3A_390 : i32
      %add3A_392 = arith.constant 5 : i32
      %add3A_393 = arith.addi %add3A_392, %mul3A_391 : i32
      %add3A_394 = arith.constant 2 : i32
      %add3A_395 = arith.addi %add3A_393, %add3A_394 : i32
      %sub3A_396 = arith.constant 3 : i32
      %sub3A_397 = arith.subi %add3A_395, %sub3A_396 : i32
      %mul3A_398 = arith.constant 80 : i32
      %mul3A_399 = arith.muli %sub3A_397, %mul3A_398 : i32
      %add3A_400 = arith.addi %multiple_of3A, %mul3A_399 : i32
      %multiple_of3A_401 = tpu.assume_multiple %add3A_400, 8 : i32
      %dma_wait3A_402 = arith.constant 0 : i32
      %dma_wait3A_403 = tpu.memref_slice %arg4[%multiple_of3A_401, %dma_wait3A_402] : memref<320000x128xf32, #tpu.memory_space<hbm>> -> memref<80x128xf32, #tpu.memory_space<hbm>>
      %dma_wait3A_404 = arith.constant 0 : i32
      %dma_wait3A_405 = tpu.memref_slice %arg4[%multiple_of3A_401, %dma_wait3A_404] : memref<320000x128xf32, #tpu.memory_space<hbm>> -> memref<80x128xf32, #tpu.memory_space<hbm>>
      tpu.wait_dma2 semaphore(%arg22 : memref<!tpu.dma_semaphore, #tpu.memory_space<semaphore_mem>>) src(%arg10 : memref<80x128xf32, #tpu.memory_space<vmem>>) dst(%dma_wait3A_405 : memref<80x128xf32, #tpu.memory_space<hbm>>)
      %add3A_406 = arith.constant 3 : i32
      %add3A_407 = arith.addi %add3A_395, %add3A_406 : i32
      %dma_start3A_408 = arith.constant 0 : i32
      %dma_start3A_409 = tpu.memref_slice %arg5[%add3A_407, %dma_start3A_408] : memref<125x80xi32, #tpu.memory_space<vmem>> -> memref<1x80xi32, #tpu.memory_space<vmem>>
      %dma_start3A_410 = tpu.memref_squeeze %dma_start3A_409 : memref<1x80xi32, #tpu.memory_space<vmem>> -> memref<80xi32, #tpu.memory_space<vmem>>
      %dma_start3A_411 = arith.constant 0 : i32
      %dma_start3A_412 = arith.constant 0 : i32
      %dma_start3A_413 = tpu.memref_slice %arg2[%dma_start3A_411, %dma_start3A_412] : memref<10000x128xf32, #tpu.memory_space<hbm>> -> memref<10000x128xf32, #tpu.memory_space<hbm>>
      tpu.enqueue_indirect_dma source(%dma_start3A_413 : memref<10000x128xf32, #tpu.memory_space<hbm>>) target(%arg10 : memref<80x128xf32, #tpu.memory_space<vmem>>) offsets(%dma_start3A_410 : memref<80xi32, #tpu.memory_space<vmem>>) semaphore(%arg16 : memref<!tpu.dma_semaphore, #tpu.memory_space<semaphore_mem>>)
      %dma_wait3A_414 = arith.constant 0 : i32
      %dma_wait3A_415 = tpu.memref_slice %arg5[%add3A_395, %dma_wait3A_414] : memref<125x80xi32, #tpu.memory_space<vmem>> -> memref<1x80xi32, #tpu.memory_space<vmem>>
      %dma_wait3A_416 = tpu.memref_squeeze %dma_wait3A_415 : memref<1x80xi32, #tpu.memory_space<vmem>> -> memref<80xi32, #tpu.memory_space<vmem>>
      %dma_wait3A_417 = arith.constant 0 : i32
      %dma_wait3A_418 = arith.constant 0 : i32
      %dma_wait3A_419 = tpu.memref_slice %arg2[%dma_wait3A_417, %dma_wait3A_418] : memref<10000x128xf32, #tpu.memory_space<hbm>> -> memref<10000x128xf32, #tpu.memory_space<hbm>>
      tpu.wait_indirect_dma semaphore(%arg13 : memref<!tpu.dma_semaphore, #tpu.memory_space<semaphore_mem>>) src(%dma_wait3A_419 : memref<10000x128xf32, #tpu.memory_space<hbm>>) dst(%arg7 : memref<80x128xf32, #tpu.memory_space<vmem>>)
      %mul3A_420 = arith.constant 80 : i32
      %mul3A_421 = arith.muli %add3A_395, %mul3A_420 : i32
      %add3A_422 = arith.addi %multiple_of3A, %mul3A_421 : i32
      %multiple_of3A_423 = tpu.assume_multiple %add3A_422, 8 : i32
      %dma_start3A_424 = arith.constant 0 : i32
      %dma_start3A_425 = tpu.memref_slice %arg4[%multiple_of3A_423, %dma_start3A_424] : memref<320000x128xf32, #tpu.memory_space<hbm>> -> memref<80x128xf32, #tpu.memory_space<hbm>>
      %dma_start3A_426 = arith.constant 0 : i32
      %dma_start3A_427 = tpu.memref_slice %arg4[%multiple_of3A_423, %dma_start3A_426] : memref<320000x128xf32, #tpu.memory_space<hbm>> -> memref<80x128xf32, #tpu.memory_space<hbm>>
      tpu.enqueue_dma source(%arg7 : memref<80x128xf32, #tpu.memory_space<vmem>>) target(%dma_start3A_427 : memref<80x128xf32, #tpu.memory_space<hbm>>) target_semaphore(%arg19 : memref<!tpu.dma_semaphore, #tpu.memory_space<semaphore_mem>>)
      %mul3A_428 = arith.constant 6 : i32
      %mul3A_429 = arith.muli %scan3A_314, %mul3A_428 : i32
      %add3A_430 = arith.constant 5 : i32
      %add3A_431 = arith.addi %add3A_430, %mul3A_429 : i32
      %add3A_432 = arith.constant 3 : i32
      %add3A_433 = arith.addi %add3A_431, %add3A_432 : i32
      %sub3A_434 = arith.constant 3 : i32
      %sub3A_435 = arith.subi %add3A_433, %sub3A_434 : i32
      %mul3A_436 = arith.constant 80 : i32
      %mul3A_437 = arith.muli %sub3A_435, %mul3A_436 : i32
      %add3A_438 = arith.addi %multiple_of3A, %mul3A_437 : i32
      %multiple_of3A_439 = tpu.assume_multiple %add3A_438, 8 : i32
      %dma_wait3A_440 = arith.constant 0 : i32
      %dma_wait3A_441 = tpu.memref_slice %arg4[%multiple_of3A_439, %dma_wait3A_440] : memref<320000x128xf32, #tpu.memory_space<hbm>> -> memref<80x128xf32, #tpu.memory_space<hbm>>
      %dma_wait3A_442 = arith.constant 0 : i32
      %dma_wait3A_443 = tpu.memref_slice %arg4[%multiple_of3A_439, %dma_wait3A_442] : memref<320000x128xf32, #tpu.memory_space<hbm>> -> memref<80x128xf32, #tpu.memory_space<hbm>>
      tpu.wait_dma2 semaphore(%arg23 : memref<!tpu.dma_semaphore, #tpu.memory_space<semaphore_mem>>) src(%arg11 : memref<80x128xf32, #tpu.memory_space<vmem>>) dst(%dma_wait3A_443 : memref<80x128xf32, #tpu.memory_space<hbm>>)
      %add3A_444 = arith.constant 3 : i32
      %add3A_445 = arith.addi %add3A_433, %add3A_444 : i32
      %dma_start3A_446 = arith.constant 0 : i32
      %dma_start3A_447 = tpu.memref_slice %arg5[%add3A_445, %dma_start3A_446] : memref<125x80xi32, #tpu.memory_space<vmem>> -> memref<1x80xi32, #tpu.memory_space<vmem>>
      %dma_start3A_448 = tpu.memref_squeeze %dma_start3A_447 : memref<1x80xi32, #tpu.memory_space<vmem>> -> memref<80xi32, #tpu.memory_space<vmem>>
      %dma_start3A_449 = arith.constant 0 : i32
      %dma_start3A_450 = arith.constant 0 : i32
      %dma_start3A_451 = tpu.memref_slice %arg2[%dma_start3A_449, %dma_start3A_450] : memref<10000x128xf32, #tpu.memory_space<hbm>> -> memref<10000x128xf32, #tpu.memory_space<hbm>>
      tpu.enqueue_indirect_dma source(%dma_start3A_451 : memref<10000x128xf32, #tpu.memory_space<hbm>>) target(%arg11 : memref<80x128xf32, #tpu.memory_space<vmem>>) offsets(%dma_start3A_448 : memref<80xi32, #tpu.memory_space<vmem>>) semaphore(%arg17 : memref<!tpu.dma_semaphore, #tpu.memory_space<semaphore_mem>>)
      %dma_wait3A_452 = arith.constant 0 : i32
      %dma_wait3A_453 = tpu.memref_slice %arg5[%add3A_433, %dma_wait3A_452] : memref<125x80xi32, #tpu.memory_space<vmem>> -> memref<1x80xi32, #tpu.memory_space<vmem>>
      %dma_wait3A_454 = tpu.memref_squeeze %dma_wait3A_453 : memref<1x80xi32, #tpu.memory_space<vmem>> -> memref<80xi32, #tpu.memory_space<vmem>>
      %dma_wait3A_455 = arith.constant 0 : i32
      %dma_wait3A_456 = arith.constant 0 : i32
      %dma_wait3A_457 = tpu.memref_slice %arg2[%dma_wait3A_455, %dma_wait3A_456] : memref<10000x128xf32, #tpu.memory_space<hbm>> -> memref<10000x128xf32, #tpu.memory_space<hbm>>
      tpu.wait_indirect_dma semaphore(%arg14 : memref<!tpu.dma_semaphore, #tpu.memory_space<semaphore_mem>>) src(%dma_wait3A_457 : memref<10000x128xf32, #tpu.memory_space<hbm>>) dst(%arg8 : memref<80x128xf32, #tpu.memory_space<vmem>>)
      %mul3A_458 = arith.constant 80 : i32
      %mul3A_459 = arith.muli %add3A_433, %mul3A_458 : i32
      %add3A_460 = arith.addi %multiple_of3A, %mul3A_459 : i32
      %multiple_of3A_461 = tpu.assume_multiple %add3A_460, 8 : i32
      %dma_start3A_462 = arith.constant 0 : i32
      %dma_start3A_463 = tpu.memref_slice %arg4[%multiple_of3A_461, %dma_start3A_462] : memref<320000x128xf32, #tpu.memory_space<hbm>> -> memref<80x128xf32, #tpu.memory_space<hbm>>
      %dma_start3A_464 = arith.constant 0 : i32
      %dma_start3A_465 = tpu.memref_slice %arg4[%multiple_of3A_461, %dma_start3A_464] : memref<320000x128xf32, #tpu.memory_space<hbm>> -> memref<80x128xf32, #tpu.memory_space<hbm>>
      tpu.enqueue_dma source(%arg8 : memref<80x128xf32, #tpu.memory_space<vmem>>) target(%dma_start3A_465 : memref<80x128xf32, #tpu.memory_space<hbm>>) target_semaphore(%arg20 : memref<!tpu.dma_semaphore, #tpu.memory_space<semaphore_mem>>)
      %mul3A_466 = arith.constant 6 : i32
      %mul3A_467 = arith.muli %scan3A_314, %mul3A_466 : i32
      %add3A_468 = arith.constant 5 : i32
      %add3A_469 = arith.addi %add3A_468, %mul3A_467 : i32
      %add3A_470 = arith.constant 4 : i32
      %add3A_471 = arith.addi %add3A_469, %add3A_470 : i32
      %sub3A_472 = arith.constant 3 : i32
      %sub3A_473 = arith.subi %add3A_471, %sub3A_472 : i32
      %mul3A_474 = arith.constant 80 : i32
      %mul3A_475 = arith.muli %sub3A_473, %mul3A_474 : i32
      %add3A_476 = arith.addi %multiple_of3A, %mul3A_475 : i32
      %multiple_of3A_477 = tpu.assume_multiple %add3A_476, 8 : i32
      %dma_wait3A_478 = arith.constant 0 : i32
      %dma_wait3A_479 = tpu.memref_slice %arg4[%multiple_of3A_477, %dma_wait3A_478] : memref<320000x128xf32, #tpu.memory_space<hbm>> -> memref<80x128xf32, #tpu.memory_space<hbm>>
      %dma_wait3A_480 = arith.constant 0 : i32
      %dma_wait3A_481 = tpu.memref_slice %arg4[%multiple_of3A_477, %dma_wait3A_480] : memref<320000x128xf32, #tpu.memory_space<hbm>> -> memref<80x128xf32, #tpu.memory_space<hbm>>
      tpu.wait_dma2 semaphore(%arg18 : memref<!tpu.dma_semaphore, #tpu.memory_space<semaphore_mem>>) src(%arg6 : memref<80x128xf32, #tpu.memory_space<vmem>>) dst(%dma_wait3A_481 : memref<80x128xf32, #tpu.memory_space<hbm>>)
      %add3A_482 = arith.constant 3 : i32
      %add3A_483 = arith.addi %add3A_471, %add3A_482 : i32
      %dma_start3A_484 = arith.constant 0 : i32
      %dma_start3A_485 = tpu.memref_slice %arg5[%add3A_483, %dma_start3A_484] : memref<125x80xi32, #tpu.memory_space<vmem>> -> memref<1x80xi32, #tpu.memory_space<vmem>>
      %dma_start3A_486 = tpu.memref_squeeze %dma_start3A_485 : memref<1x80xi32, #tpu.memory_space<vmem>> -> memref<80xi32, #tpu.memory_space<vmem>>
      %dma_start3A_487 = arith.constant 0 : i32
      %dma_start3A_488 = arith.constant 0 : i32
      %dma_start3A_489 = tpu.memref_slice %arg2[%dma_start3A_487, %dma_start3A_488] : memref<10000x128xf32, #tpu.memory_space<hbm>> -> memref<10000x128xf32, #tpu.memory_space<hbm>>
      tpu.enqueue_indirect_dma source(%dma_start3A_489 : memref<10000x128xf32, #tpu.memory_space<hbm>>) target(%arg6 : memref<80x128xf32, #tpu.memory_space<vmem>>) offsets(%dma_start3A_486 : memref<80xi32, #tpu.memory_space<vmem>>) semaphore(%arg12 : memref<!tpu.dma_semaphore, #tpu.memory_space<semaphore_mem>>)
      %dma_wait3A_490 = arith.constant 0 : i32
      %dma_wait3A_491 = tpu.memref_slice %arg5[%add3A_471, %dma_wait3A_490] : memref<125x80xi32, #tpu.memory_space<vmem>> -> memref<1x80xi32, #tpu.memory_space<vmem>>
      %dma_wait3A_492 = tpu.memref_squeeze %dma_wait3A_491 : memref<1x80xi32, #tpu.memory_space<vmem>> -> memref<80xi32, #tpu.memory_space<vmem>>
      %dma_wait3A_493 = arith.constant 0 : i32
      %dma_wait3A_494 = arith.constant 0 : i32
      %dma_wait3A_495 = tpu.memref_slice %arg2[%dma_wait3A_493, %dma_wait3A_494] : memref<10000x128xf32, #tpu.memory_space<hbm>> -> memref<10000x128xf32, #tpu.memory_space<hbm>>
      tpu.wait_indirect_dma semaphore(%arg15 : memref<!tpu.dma_semaphore, #tpu.memory_space<semaphore_mem>>) src(%dma_wait3A_495 : memref<10000x128xf32, #tpu.memory_space<hbm>>) dst(%arg9 : memref<80x128xf32, #tpu.memory_space<vmem>>)
      %mul3A_496 = arith.constant 80 : i32
      %mul3A_497 = arith.muli %add3A_471, %mul3A_496 : i32
      %add3A_498 = arith.addi %multiple_of3A, %mul3A_497 : i32
      %multiple_of3A_499 = tpu.assume_multiple %add3A_498, 8 : i32
      %dma_start3A_500 = arith.constant 0 : i32
      %dma_start3A_501 = tpu.memref_slice %arg4[%multiple_of3A_499, %dma_start3A_500] : memref<320000x128xf32, #tpu.memory_space<hbm>> -> memref<80x128xf32, #tpu.memory_space<hbm>>
      %dma_start3A_502 = arith.constant 0 : i32
      %dma_start3A_503 = tpu.memref_slice %arg4[%multiple_of3A_499, %dma_start3A_502] : memref<320000x128xf32, #tpu.memory_space<hbm>> -> memref<80x128xf32, #tpu.memory_space<hbm>>
      tpu.enqueue_dma source(%arg9 : memref<80x128xf32, #tpu.memory_space<vmem>>) target(%dma_start3A_503 : memref<80x128xf32, #tpu.memory_space<hbm>>) target_semaphore(%arg21 : memref<!tpu.dma_semaphore, #tpu.memory_space<semaphore_mem>>)
      %mul3A_504 = arith.constant 6 : i32
      %mul3A_505 = arith.muli %scan3A_314, %mul3A_504 : i32
      %add3A_506 = arith.constant 5 : i32
      %add3A_507 = arith.addi %add3A_506, %mul3A_505 : i32
      %add3A_508 = arith.constant 5 : i32
      %add3A_509 = arith.addi %add3A_507, %add3A_508 : i32
      %sub3A_510 = arith.constant 3 : i32
      %sub3A_511 = arith.subi %add3A_509, %sub3A_510 : i32
      %mul3A_512 = arith.constant 80 : i32
      %mul3A_513 = arith.muli %sub3A_511, %mul3A_512 : i32
      %add3A_514 = arith.addi %multiple_of3A, %mul3A_513 : i32
      %multiple_of3A_515 = tpu.assume_multiple %add3A_514, 8 : i32
      %dma_wait3A_516 = arith.constant 0 : i32
      %dma_wait3A_517 = tpu.memref_slice %arg4[%multiple_of3A_515, %dma_wait3A_516] : memref<320000x128xf32, #tpu.memory_space<hbm>> -> memref<80x128xf32, #tpu.memory_space<hbm>>
      %dma_wait3A_518 = arith.constant 0 : i32
      %dma_wait3A_519 = tpu.memref_slice %arg4[%multiple_of3A_515, %dma_wait3A_518] : memref<320000x128xf32, #tpu.memory_space<hbm>> -> memref<80x128xf32, #tpu.memory_space<hbm>>
      tpu.wait_dma2 semaphore(%arg19 : memref<!tpu.dma_semaphore, #tpu.memory_space<semaphore_mem>>) src(%arg7 : memref<80x128xf32, #tpu.memory_space<vmem>>) dst(%dma_wait3A_519 : memref<80x128xf32, #tpu.memory_space<hbm>>)
      %add3A_520 = arith.constant 3 : i32
      %add3A_521 = arith.addi %add3A_509, %add3A_520 : i32
      %dma_start3A_522 = arith.constant 0 : i32
      %dma_start3A_523 = tpu.memref_slice %arg5[%add3A_521, %dma_start3A_522] : memref<125x80xi32, #tpu.memory_space<vmem>> -> memref<1x80xi32, #tpu.memory_space<vmem>>
      %dma_start3A_524 = tpu.memref_squeeze %dma_start3A_523 : memref<1x80xi32, #tpu.memory_space<vmem>> -> memref<80xi32, #tpu.memory_space<vmem>>
      %dma_start3A_525 = arith.constant 0 : i32
      %dma_start3A_526 = arith.constant 0 : i32
      %dma_start3A_527 = tpu.memref_slice %arg2[%dma_start3A_525, %dma_start3A_526] : memref<10000x128xf32, #tpu.memory_space<hbm>> -> memref<10000x128xf32, #tpu.memory_space<hbm>>
      tpu.enqueue_indirect_dma source(%dma_start3A_527 : memref<10000x128xf32, #tpu.memory_space<hbm>>) target(%arg7 : memref<80x128xf32, #tpu.memory_space<vmem>>) offsets(%dma_start3A_524 : memref<80xi32, #tpu.memory_space<vmem>>) semaphore(%arg13 : memref<!tpu.dma_semaphore, #tpu.memory_space<semaphore_mem>>)
      %dma_wait3A_528 = arith.constant 0 : i32
      %dma_wait3A_529 = tpu.memref_slice %arg5[%add3A_509, %dma_wait3A_528] : memref<125x80xi32, #tpu.memory_space<vmem>> -> memref<1x80xi32, #tpu.memory_space<vmem>>
      %dma_wait3A_530 = tpu.memref_squeeze %dma_wait3A_529 : memref<1x80xi32, #tpu.memory_space<vmem>> -> memref<80xi32, #tpu.memory_space<vmem>>
      %dma_wait3A_531 = arith.constant 0 : i32
      %dma_wait3A_532 = arith.constant 0 : i32
      %dma_wait3A_533 = tpu.memref_slice %arg2[%dma_wait3A_531, %dma_wait3A_532] : memref<10000x128xf32, #tpu.memory_space<hbm>> -> memref<10000x128xf32, #tpu.memory_space<hbm>>
      tpu.wait_indirect_dma semaphore(%arg16 : memref<!tpu.dma_semaphore, #tpu.memory_space<semaphore_mem>>) src(%dma_wait3A_533 : memref<10000x128xf32, #tpu.memory_space<hbm>>) dst(%arg10 : memref<80x128xf32, #tpu.memory_space<vmem>>)
      %mul3A_534 = arith.constant 80 : i32
      %mul3A_535 = arith.muli %add3A_509, %mul3A_534 : i32
      %add3A_536 = arith.addi %multiple_of3A, %mul3A_535 : i32
      %multiple_of3A_537 = tpu.assume_multiple %add3A_536, 8 : i32
      %dma_start3A_538 = arith.constant 0 : i32
      %dma_start3A_539 = tpu.memref_slice %arg4[%multiple_of3A_537, %dma_start3A_538] : memref<320000x128xf32, #tpu.memory_space<hbm>> -> memref<80x128xf32, #tpu.memory_space<hbm>>
      %dma_start3A_540 = arith.constant 0 : i32
      %dma_start3A_541 = tpu.memref_slice %arg4[%multiple_of3A_537, %dma_start3A_540] : memref<320000x128xf32, #tpu.memory_space<hbm>> -> memref<80x128xf32, #tpu.memory_space<hbm>>
      tpu.enqueue_dma source(%arg10 : memref<80x128xf32, #tpu.memory_space<vmem>>) target(%dma_start3A_541 : memref<80x128xf32, #tpu.memory_space<hbm>>) target_semaphore(%arg22 : memref<!tpu.dma_semaphore, #tpu.memory_space<semaphore_mem>>)
    }
    %scan3A_145 = arith.constant 19 : i32
    %add3A_146 = arith.constant 9280 : i32
    %add3A_147 = arith.addi %multiple_of3A, %add3A_146 : i32
    %multiple_of3A_148 = tpu.assume_multiple %add3A_147, 8 : i32
    %dma_wait3A_149 = arith.constant 0 : i32
    %dma_wait3A_150 = tpu.memref_slice %arg4[%multiple_of3A_148, %dma_wait3A_149] : memref<320000x128xf32, #tpu.memory_space<hbm>> -> memref<80x128xf32, #tpu.memory_space<hbm>>
    %dma_wait3A_151 = arith.constant 0 : i32
    %dma_wait3A_152 = tpu.memref_slice %arg4[%multiple_of3A_148, %dma_wait3A_151] : memref<320000x128xf32, #tpu.memory_space<hbm>> -> memref<80x128xf32, #tpu.memory_space<hbm>>
    tpu.wait_dma2 semaphore(%arg20 : memref<!tpu.dma_semaphore, #tpu.memory_space<semaphore_mem>>) src(%arg8 : memref<80x128xf32, #tpu.memory_space<vmem>>) dst(%dma_wait3A_152 : memref<80x128xf32, #tpu.memory_space<hbm>>)
    %dma_start3A_153 = arith.constant 122 : i32
    %dma_start3A_154 = arith.constant 0 : i32
    %dma_start3A_155 = tpu.memref_slice %arg5[%dma_start3A_153, %dma_start3A_154] : memref<125x80xi32, #tpu.memory_space<vmem>> -> memref<1x80xi32, #tpu.memory_space<vmem>>
    %dma_start3A_156 = tpu.memref_squeeze %dma_start3A_155 : memref<1x80xi32, #tpu.memory_space<vmem>> -> memref<80xi32, #tpu.memory_space<vmem>>
    %dma_start3A_157 = arith.constant 0 : i32
    %dma_start3A_158 = arith.constant 0 : i32
    %dma_start3A_159 = tpu.memref_slice %arg2[%dma_start3A_157, %dma_start3A_158] : memref<10000x128xf32, #tpu.memory_space<hbm>> -> memref<10000x128xf32, #tpu.memory_space<hbm>>
    tpu.enqueue_indirect_dma source(%dma_start3A_159 : memref<10000x128xf32, #tpu.memory_space<hbm>>) target(%arg8 : memref<80x128xf32, #tpu.memory_space<vmem>>) offsets(%dma_start3A_156 : memref<80xi32, #tpu.memory_space<vmem>>) semaphore(%arg14 : memref<!tpu.dma_semaphore, #tpu.memory_space<semaphore_mem>>)
    %dma_wait3A_160 = arith.constant 119 : i32
    %dma_wait3A_161 = arith.constant 0 : i32
    %dma_wait3A_162 = tpu.memref_slice %arg5[%dma_wait3A_160, %dma_wait3A_161] : memref<125x80xi32, #tpu.memory_space<vmem>> -> memref<1x80xi32, #tpu.memory_space<vmem>>
    %dma_wait3A_163 = tpu.memref_squeeze %dma_wait3A_162 : memref<1x80xi32, #tpu.memory_space<vmem>> -> memref<80xi32, #tpu.memory_space<vmem>>
    %dma_wait3A_164 = arith.constant 0 : i32
    %dma_wait3A_165 = arith.constant 0 : i32
    %dma_wait3A_166 = tpu.memref_slice %arg2[%dma_wait3A_164, %dma_wait3A_165] : memref<10000x128xf32, #tpu.memory_space<hbm>> -> memref<10000x128xf32, #tpu.memory_space<hbm>>
    tpu.wait_indirect_dma semaphore(%arg17 : memref<!tpu.dma_semaphore, #tpu.memory_space<semaphore_mem>>) src(%dma_wait3A_166 : memref<10000x128xf32, #tpu.memory_space<hbm>>) dst(%arg11 : memref<80x128xf32, #tpu.memory_space<vmem>>)
    %add3A_167 = arith.constant 9520 : i32
    %add3A_168 = arith.addi %multiple_of3A, %add3A_167 : i32
    %multiple_of3A_169 = tpu.assume_multiple %add3A_168, 8 : i32
    %dma_start3A_170 = arith.constant 0 : i32
    %dma_start3A_171 = tpu.memref_slice %arg4[%multiple_of3A_169, %dma_start3A_170] : memref<320000x128xf32, #tpu.memory_space<hbm>> -> memref<80x128xf32, #tpu.memory_space<hbm>>
    %dma_start3A_172 = arith.constant 0 : i32
    %dma_start3A_173 = tpu.memref_slice %arg4[%multiple_of3A_169, %dma_start3A_172] : memref<320000x128xf32, #tpu.memory_space<hbm>> -> memref<80x128xf32, #tpu.memory_space<hbm>>
    tpu.enqueue_dma source(%arg11 : memref<80x128xf32, #tpu.memory_space<vmem>>) target(%dma_start3A_173 : memref<80x128xf32, #tpu.memory_space<hbm>>) target_semaphore(%arg23 : memref<!tpu.dma_semaphore, #tpu.memory_space<semaphore_mem>>)
    %add3A_174 = arith.constant 9360 : i32
    %add3A_175 = arith.addi %multiple_of3A, %add3A_174 : i32
    %multiple_of3A_176 = tpu.assume_multiple %add3A_175, 8 : i32
    %dma_wait3A_177 = arith.constant 0 : i32
    %dma_wait3A_178 = tpu.memref_slice %arg4[%multiple_of3A_176, %dma_wait3A_177] : memref<320000x128xf32, #tpu.memory_space<hbm>> -> memref<80x128xf32, #tpu.memory_space<hbm>>
    %dma_wait3A_179 = arith.constant 0 : i32
    %dma_wait3A_180 = tpu.memref_slice %arg4[%multiple_of3A_176, %dma_wait3A_179] : memref<320000x128xf32, #tpu.memory_space<hbm>> -> memref<80x128xf32, #tpu.memory_space<hbm>>
    tpu.wait_dma2 semaphore(%arg21 : memref<!tpu.dma_semaphore, #tpu.memory_space<semaphore_mem>>) src(%arg9 : memref<80x128xf32, #tpu.memory_space<vmem>>) dst(%dma_wait3A_180 : memref<80x128xf32, #tpu.memory_space<hbm>>)
    %dma_start3A_181 = arith.constant 123 : i32
    %dma_start3A_182 = arith.constant 0 : i32
    %dma_start3A_183 = tpu.memref_slice %arg5[%dma_start3A_181, %dma_start3A_182] : memref<125x80xi32, #tpu.memory_space<vmem>> -> memref<1x80xi32, #tpu.memory_space<vmem>>
    %dma_start3A_184 = tpu.memref_squeeze %dma_start3A_183 : memref<1x80xi32, #tpu.memory_space<vmem>> -> memref<80xi32, #tpu.memory_space<vmem>>
    %dma_start3A_185 = arith.constant 0 : i32
    %dma_start3A_186 = arith.constant 0 : i32
    %dma_start3A_187 = tpu.memref_slice %arg2[%dma_start3A_185, %dma_start3A_186] : memref<10000x128xf32, #tpu.memory_space<hbm>> -> memref<10000x128xf32, #tpu.memory_space<hbm>>
    tpu.enqueue_indirect_dma source(%dma_start3A_187 : memref<10000x128xf32, #tpu.memory_space<hbm>>) target(%arg9 : memref<80x128xf32, #tpu.memory_space<vmem>>) offsets(%dma_start3A_184 : memref<80xi32, #tpu.memory_space<vmem>>) semaphore(%arg15 : memref<!tpu.dma_semaphore, #tpu.memory_space<semaphore_mem>>)
    %dma_wait3A_188 = arith.constant 120 : i32
    %dma_wait3A_189 = arith.constant 0 : i32
    %dma_wait3A_190 = tpu.memref_slice %arg5[%dma_wait3A_188, %dma_wait3A_189] : memref<125x80xi32, #tpu.memory_space<vmem>> -> memref<1x80xi32, #tpu.memory_space<vmem>>
    %dma_wait3A_191 = tpu.memref_squeeze %dma_wait3A_190 : memref<1x80xi32, #tpu.memory_space<vmem>> -> memref<80xi32, #tpu.memory_space<vmem>>
    %dma_wait3A_192 = arith.constant 0 : i32
    %dma_wait3A_193 = arith.constant 0 : i32
    %dma_wait3A_194 = tpu.memref_slice %arg2[%dma_wait3A_192, %dma_wait3A_193] : memref<10000x128xf32, #tpu.memory_space<hbm>> -> memref<10000x128xf32, #tpu.memory_space<hbm>>
    tpu.wait_indirect_dma semaphore(%arg12 : memref<!tpu.dma_semaphore, #tpu.memory_space<semaphore_mem>>) src(%dma_wait3A_194 : memref<10000x128xf32, #tpu.memory_space<hbm>>) dst(%arg6 : memref<80x128xf32, #tpu.memory_space<vmem>>)
    %add3A_195 = arith.constant 9600 : i32
    %add3A_196 = arith.addi %multiple_of3A, %add3A_195 : i32
    %multiple_of3A_197 = tpu.assume_multiple %add3A_196, 8 : i32
    %dma_start3A_198 = arith.constant 0 : i32
    %dma_start3A_199 = tpu.memref_slice %arg4[%multiple_of3A_197, %dma_start3A_198] : memref<320000x128xf32, #tpu.memory_space<hbm>> -> memref<80x128xf32, #tpu.memory_space<hbm>>
    %dma_start3A_200 = arith.constant 0 : i32
    %dma_start3A_201 = tpu.memref_slice %arg4[%multiple_of3A_197, %dma_start3A_200] : memref<320000x128xf32, #tpu.memory_space<hbm>> -> memref<80x128xf32, #tpu.memory_space<hbm>>
    tpu.enqueue_dma source(%arg6 : memref<80x128xf32, #tpu.memory_space<vmem>>) target(%dma_start3A_201 : memref<80x128xf32, #tpu.memory_space<hbm>>) target_semaphore(%arg18 : memref<!tpu.dma_semaphore, #tpu.memory_space<semaphore_mem>>)
    %add3A_202 = arith.constant 9440 : i32
    %add3A_203 = arith.addi %multiple_of3A, %add3A_202 : i32
    %multiple_of3A_204 = tpu.assume_multiple %add3A_203, 8 : i32
    %dma_wait3A_205 = arith.constant 0 : i32
    %dma_wait3A_206 = tpu.memref_slice %arg4[%multiple_of3A_204, %dma_wait3A_205] : memref<320000x128xf32, #tpu.memory_space<hbm>> -> memref<80x128xf32, #tpu.memory_space<hbm>>
    %dma_wait3A_207 = arith.constant 0 : i32
    %dma_wait3A_208 = tpu.memref_slice %arg4[%multiple_of3A_204, %dma_wait3A_207] : memref<320000x128xf32, #tpu.memory_space<hbm>> -> memref<80x128xf32, #tpu.memory_space<hbm>>
    tpu.wait_dma2 semaphore(%arg22 : memref<!tpu.dma_semaphore, #tpu.memory_space<semaphore_mem>>) src(%arg10 : memref<80x128xf32, #tpu.memory_space<vmem>>) dst(%dma_wait3A_208 : memref<80x128xf32, #tpu.memory_space<hbm>>)
    %dma_start3A_209 = arith.constant 124 : i32
    %dma_start3A_210 = arith.constant 0 : i32
    %dma_start3A_211 = tpu.memref_slice %arg5[%dma_start3A_209, %dma_start3A_210] : memref<125x80xi32, #tpu.memory_space<vmem>> -> memref<1x80xi32, #tpu.memory_space<vmem>>
    %dma_start3A_212 = tpu.memref_squeeze %dma_start3A_211 : memref<1x80xi32, #tpu.memory_space<vmem>> -> memref<80xi32, #tpu.memory_space<vmem>>
    %dma_start3A_213 = arith.constant 0 : i32
    %dma_start3A_214 = arith.constant 0 : i32
    %dma_start3A_215 = tpu.memref_slice %arg2[%dma_start3A_213, %dma_start3A_214] : memref<10000x128xf32, #tpu.memory_space<hbm>> -> memref<10000x128xf32, #tpu.memory_space<hbm>>
    tpu.enqueue_indirect_dma source(%dma_start3A_215 : memref<10000x128xf32, #tpu.memory_space<hbm>>) target(%arg10 : memref<80x128xf32, #tpu.memory_space<vmem>>) offsets(%dma_start3A_212 : memref<80xi32, #tpu.memory_space<vmem>>) semaphore(%arg16 : memref<!tpu.dma_semaphore, #tpu.memory_space<semaphore_mem>>)
    %dma_wait3A_216 = arith.constant 121 : i32
    %dma_wait3A_217 = arith.constant 0 : i32
    %dma_wait3A_218 = tpu.memref_slice %arg5[%dma_wait3A_216, %dma_wait3A_217] : memref<125x80xi32, #tpu.memory_space<vmem>> -> memref<1x80xi32, #tpu.memory_space<vmem>>
    %dma_wait3A_219 = tpu.memref_squeeze %dma_wait3A_218 : memref<1x80xi32, #tpu.memory_space<vmem>> -> memref<80xi32, #tpu.memory_space<vmem>>
    %dma_wait3A_220 = arith.constant 0 : i32
    %dma_wait3A_221 = arith.constant 0 : i32
    %dma_wait3A_222 = tpu.memref_slice %arg2[%dma_wait3A_220, %dma_wait3A_221] : memref<10000x128xf32, #tpu.memory_space<hbm>> -> memref<10000x128xf32, #tpu.memory_space<hbm>>
    tpu.wait_indirect_dma semaphore(%arg13 : memref<!tpu.dma_semaphore, #tpu.memory_space<semaphore_mem>>) src(%dma_wait3A_222 : memref<10000x128xf32, #tpu.memory_space<hbm>>) dst(%arg7 : memref<80x128xf32, #tpu.memory_space<vmem>>)
    %add3A_223 = arith.constant 9680 : i32
    %add3A_224 = arith.addi %multiple_of3A, %add3A_223 : i32
    %multiple_of3A_225 = tpu.assume_multiple %add3A_224, 8 : i32
    %dma_start3A_226 = arith.constant 0 : i32
    %dma_start3A_227 = tpu.memref_slice %arg4[%multiple_of3A_225, %dma_start3A_226] : memref<320000x128xf32, #tpu.memory_space<hbm>> -> memref<80x128xf32, #tpu.memory_space<hbm>>
    %dma_start3A_228 = arith.constant 0 : i32
    %dma_start3A_229 = tpu.memref_slice %arg4[%multiple_of3A_225, %dma_start3A_228] : memref<320000x128xf32, #tpu.memory_space<hbm>> -> memref<80x128xf32, #tpu.memory_space<hbm>>
    tpu.enqueue_dma source(%arg7 : memref<80x128xf32, #tpu.memory_space<vmem>>) target(%dma_start3A_229 : memref<80x128xf32, #tpu.memory_space<hbm>>) target_semaphore(%arg19 : memref<!tpu.dma_semaphore, #tpu.memory_space<semaphore_mem>>)
    %add3A_230 = arith.constant 9520 : i32
    %add3A_231 = arith.addi %multiple_of3A, %add3A_230 : i32
    %multiple_of3A_232 = tpu.assume_multiple %add3A_231, 8 : i32
    %dma_wait3A_233 = arith.constant 0 : i32
    %dma_wait3A_234 = tpu.memref_slice %arg4[%multiple_of3A_232, %dma_wait3A_233] : memref<320000x128xf32, #tpu.memory_space<hbm>> -> memref<80x128xf32, #tpu.memory_space<hbm>>
    %dma_wait3A_235 = arith.constant 0 : i32
    %dma_wait3A_236 = tpu.memref_slice %arg4[%multiple_of3A_232, %dma_wait3A_235] : memref<320000x128xf32, #tpu.memory_space<hbm>> -> memref<80x128xf32, #tpu.memory_space<hbm>>
    tpu.wait_dma2 semaphore(%arg23 : memref<!tpu.dma_semaphore, #tpu.memory_space<semaphore_mem>>) src(%arg11 : memref<80x128xf32, #tpu.memory_space<vmem>>) dst(%dma_wait3A_236 : memref<80x128xf32, #tpu.memory_space<hbm>>)
    %dma_wait3A_237 = arith.constant 122 : i32
    %dma_wait3A_238 = arith.constant 0 : i32
    %dma_wait3A_239 = tpu.memref_slice %arg5[%dma_wait3A_237, %dma_wait3A_238] : memref<125x80xi32, #tpu.memory_space<vmem>> -> memref<1x80xi32, #tpu.memory_space<vmem>>
    %dma_wait3A_240 = tpu.memref_squeeze %dma_wait3A_239 : memref<1x80xi32, #tpu.memory_space<vmem>> -> memref<80xi32, #tpu.memory_space<vmem>>
    %dma_wait3A_241 = arith.constant 0 : i32
    %dma_wait3A_242 = arith.constant 0 : i32
    %dma_wait3A_243 = tpu.memref_slice %arg2[%dma_wait3A_241, %dma_wait3A_242] : memref<10000x128xf32, #tpu.memory_space<hbm>> -> memref<10000x128xf32, #tpu.memory_space<hbm>>
    tpu.wait_indirect_dma semaphore(%arg14 : memref<!tpu.dma_semaphore, #tpu.memory_space<semaphore_mem>>) src(%dma_wait3A_243 : memref<10000x128xf32, #tpu.memory_space<hbm>>) dst(%arg8 : memref<80x128xf32, #tpu.memory_space<vmem>>)
    %add3A_244 = arith.constant 9760 : i32
    %add3A_245 = arith.addi %multiple_of3A, %add3A_244 : i32
    %multiple_of3A_246 = tpu.assume_multiple %add3A_245, 8 : i32
    %dma_start3A_247 = arith.constant 0 : i32
    %dma_start3A_248 = tpu.memref_slice %arg4[%multiple_of3A_246, %dma_start3A_247] : memref<320000x128xf32, #tpu.memory_space<hbm>> -> memref<80x128xf32, #tpu.memory_space<hbm>>
    %dma_start3A_249 = arith.constant 0 : i32
    %dma_start3A_250 = tpu.memref_slice %arg4[%multiple_of3A_246, %dma_start3A_249] : memref<320000x128xf32, #tpu.memory_space<hbm>> -> memref<80x128xf32, #tpu.memory_space<hbm>>
    tpu.enqueue_dma source(%arg8 : memref<80x128xf32, #tpu.memory_space<vmem>>) target(%dma_start3A_250 : memref<80x128xf32, #tpu.memory_space<hbm>>) target_semaphore(%arg20 : memref<!tpu.dma_semaphore, #tpu.memory_space<semaphore_mem>>)
    %add3A_251 = arith.constant 9600 : i32
    %add3A_252 = arith.addi %multiple_of3A, %add3A_251 : i32
    %multiple_of3A_253 = tpu.assume_multiple %add3A_252, 8 : i32
    %dma_wait3A_254 = arith.constant 0 : i32
    %dma_wait3A_255 = tpu.memref_slice %arg4[%multiple_of3A_253, %dma_wait3A_254] : memref<320000x128xf32, #tpu.memory_space<hbm>> -> memref<80x128xf32, #tpu.memory_space<hbm>>
    %dma_wait3A_256 = arith.constant 0 : i32
    %dma_wait3A_257 = tpu.memref_slice %arg4[%multiple_of3A_253, %dma_wait3A_256] : memref<320000x128xf32, #tpu.memory_space<hbm>> -> memref<80x128xf32, #tpu.memory_space<hbm>>
    tpu.wait_dma2 semaphore(%arg18 : memref<!tpu.dma_semaphore, #tpu.memory_space<semaphore_mem>>) src(%arg6 : memref<80x128xf32, #tpu.memory_space<vmem>>) dst(%dma_wait3A_257 : memref<80x128xf32, #tpu.memory_space<hbm>>)
    %dma_wait3A_258 = arith.constant 123 : i32
    %dma_wait3A_259 = arith.constant 0 : i32
    %dma_wait3A_260 = tpu.memref_slice %arg5[%dma_wait3A_258, %dma_wait3A_259] : memref<125x80xi32, #tpu.memory_space<vmem>> -> memref<1x80xi32, #tpu.memory_space<vmem>>
    %dma_wait3A_261 = tpu.memref_squeeze %dma_wait3A_260 : memref<1x80xi32, #tpu.memory_space<vmem>> -> memref<80xi32, #tpu.memory_space<vmem>>
    %dma_wait3A_262 = arith.constant 0 : i32
    %dma_wait3A_263 = arith.constant 0 : i32
    %dma_wait3A_264 = tpu.memref_slice %arg2[%dma_wait3A_262, %dma_wait3A_263] : memref<10000x128xf32, #tpu.memory_space<hbm>> -> memref<10000x128xf32, #tpu.memory_space<hbm>>
    tpu.wait_indirect_dma semaphore(%arg15 : memref<!tpu.dma_semaphore, #tpu.memory_space<semaphore_mem>>) src(%dma_wait3A_264 : memref<10000x128xf32, #tpu.memory_space<hbm>>) dst(%arg9 : memref<80x128xf32, #tpu.memory_space<vmem>>)
    %add3A_265 = arith.constant 9840 : i32
    %add3A_266 = arith.addi %multiple_of3A, %add3A_265 : i32
    %multiple_of3A_267 = tpu.assume_multiple %add3A_266, 8 : i32
    %dma_start3A_268 = arith.constant 0 : i32
    %dma_start3A_269 = tpu.memref_slice %arg4[%multiple_of3A_267, %dma_start3A_268] : memref<320000x128xf32, #tpu.memory_space<hbm>> -> memref<80x128xf32, #tpu.memory_space<hbm>>
    %dma_start3A_270 = arith.constant 0 : i32
    %dma_start3A_271 = tpu.memref_slice %arg4[%multiple_of3A_267, %dma_start3A_270] : memref<320000x128xf32, #tpu.memory_space<hbm>> -> memref<80x128xf32, #tpu.memory_space<hbm>>
    tpu.enqueue_dma source(%arg9 : memref<80x128xf32, #tpu.memory_space<vmem>>) target(%dma_start3A_271 : memref<80x128xf32, #tpu.memory_space<hbm>>) target_semaphore(%arg21 : memref<!tpu.dma_semaphore, #tpu.memory_space<semaphore_mem>>)
    %add3A_272 = arith.constant 9680 : i32
    %add3A_273 = arith.addi %multiple_of3A, %add3A_272 : i32
    %multiple_of3A_274 = tpu.assume_multiple %add3A_273, 8 : i32
    %dma_wait3A_275 = arith.constant 0 : i32
    %dma_wait3A_276 = tpu.memref_slice %arg4[%multiple_of3A_274, %dma_wait3A_275] : memref<320000x128xf32, #tpu.memory_space<hbm>> -> memref<80x128xf32, #tpu.memory_space<hbm>>
    %dma_wait3A_277 = arith.constant 0 : i32
    %dma_wait3A_278 = tpu.memref_slice %arg4[%multiple_of3A_274, %dma_wait3A_277] : memref<320000x128xf32, #tpu.memory_space<hbm>> -> memref<80x128xf32, #tpu.memory_space<hbm>>
    tpu.wait_dma2 semaphore(%arg19 : memref<!tpu.dma_semaphore, #tpu.memory_space<semaphore_mem>>) src(%arg7 : memref<80x128xf32, #tpu.memory_space<vmem>>) dst(%dma_wait3A_278 : memref<80x128xf32, #tpu.memory_space<hbm>>)
    %dma_wait3A_279 = arith.constant 124 : i32
    %dma_wait3A_280 = arith.constant 0 : i32
    %dma_wait3A_281 = tpu.memref_slice %arg5[%dma_wait3A_279, %dma_wait3A_280] : memref<125x80xi32, #tpu.memory_space<vmem>> -> memref<1x80xi32, #tpu.memory_space<vmem>>
    %dma_wait3A_282 = tpu.memref_squeeze %dma_wait3A_281 : memref<1x80xi32, #tpu.memory_space<vmem>> -> memref<80xi32, #tpu.memory_space<vmem>>
    %dma_wait3A_283 = arith.constant 0 : i32
    %dma_wait3A_284 = arith.constant 0 : i32
    %dma_wait3A_285 = tpu.memref_slice %arg2[%dma_wait3A_283, %dma_wait3A_284] : memref<10000x128xf32, #tpu.memory_space<hbm>> -> memref<10000x128xf32, #tpu.memory_space<hbm>>
    tpu.wait_indirect_dma semaphore(%arg16 : memref<!tpu.dma_semaphore, #tpu.memory_space<semaphore_mem>>) src(%dma_wait3A_285 : memref<10000x128xf32, #tpu.memory_space<hbm>>) dst(%arg10 : memref<80x128xf32, #tpu.memory_space<vmem>>)
    %add3A_286 = arith.constant 9920 : i32
    %add3A_287 = arith.addi %multiple_of3A, %add3A_286 : i32
    %multiple_of3A_288 = tpu.assume_multiple %add3A_287, 8 : i32
    %dma_start3A_289 = arith.constant 0 : i32
    %dma_start3A_290 = tpu.memref_slice %arg4[%multiple_of3A_288, %dma_start3A_289] : memref<320000x128xf32, #tpu.memory_space<hbm>> -> memref<80x128xf32, #tpu.memory_space<hbm>>
    %dma_start3A_291 = arith.constant 0 : i32
    %dma_start3A_292 = tpu.memref_slice %arg4[%multiple_of3A_288, %dma_start3A_291] : memref<320000x128xf32, #tpu.memory_space<hbm>> -> memref<80x128xf32, #tpu.memory_space<hbm>>
    tpu.enqueue_dma source(%arg10 : memref<80x128xf32, #tpu.memory_space<vmem>>) target(%dma_start3A_292 : memref<80x128xf32, #tpu.memory_space<hbm>>) target_semaphore(%arg22 : memref<!tpu.dma_semaphore, #tpu.memory_space<semaphore_mem>>)
    %add3A_293 = arith.constant 9760 : i32
    %add3A_294 = arith.addi %multiple_of3A, %add3A_293 : i32
    %multiple_of3A_295 = tpu.assume_multiple %add3A_294, 8 : i32
    %dma_wait3A_296 = arith.constant 0 : i32
    %dma_wait3A_297 = tpu.memref_slice %arg4[%multiple_of3A_295, %dma_wait3A_296] : memref<320000x128xf32, #tpu.memory_space<hbm>> -> memref<80x128xf32, #tpu.memory_space<hbm>>
    %dma_wait3A_298 = arith.constant 0 : i32
    %dma_wait3A_299 = tpu.memref_slice %arg4[%multiple_of3A_295, %dma_wait3A_298] : memref<320000x128xf32, #tpu.memory_space<hbm>> -> memref<80x128xf32, #tpu.memory_space<hbm>>
    tpu.wait_dma2 semaphore(%arg20 : memref<!tpu.dma_semaphore, #tpu.memory_space<semaphore_mem>>) src(%arg8 : memref<80x128xf32, #tpu.memory_space<vmem>>) dst(%dma_wait3A_299 : memref<80x128xf32, #tpu.memory_space<hbm>>)
    %add3A_300 = arith.constant 9840 : i32
    %add3A_301 = arith.addi %multiple_of3A, %add3A_300 : i32
    %multiple_of3A_302 = tpu.assume_multiple %add3A_301, 8 : i32
    %dma_wait3A_303 = arith.constant 0 : i32
    %dma_wait3A_304 = tpu.memref_slice %arg4[%multiple_of3A_302, %dma_wait3A_303] : memref<320000x128xf32, #tpu.memory_space<hbm>> -> memref<80x128xf32, #tpu.memory_space<hbm>>
    %dma_wait3A_305 = arith.constant 0 : i32
    %dma_wait3A_306 = tpu.memref_slice %arg4[%multiple_of3A_302, %dma_wait3A_305] : memref<320000x128xf32, #tpu.memory_space<hbm>> -> memref<80x128xf32, #tpu.memory_space<hbm>>
    tpu.wait_dma2 semaphore(%arg21 : memref<!tpu.dma_semaphore, #tpu.memory_space<semaphore_mem>>) src(%arg9 : memref<80x128xf32, #tpu.memory_space<vmem>>) dst(%dma_wait3A_306 : memref<80x128xf32, #tpu.memory_space<hbm>>)
    %add3A_307 = arith.constant 9920 : i32
    %add3A_308 = arith.addi %multiple_of3A, %add3A_307 : i32
    %multiple_of3A_309 = tpu.assume_multiple %add3A_308, 8 : i32
    %dma_wait3A_310 = arith.constant 0 : i32
    %dma_wait3A_311 = tpu.memref_slice %arg4[%multiple_of3A_309, %dma_wait3A_310] : memref<320000x128xf32, #tpu.memory_space<hbm>> -> memref<80x128xf32, #tpu.memory_space<hbm>>
    %dma_wait3A_312 = arith.constant 0 : i32
    %dma_wait3A_313 = tpu.memref_slice %arg4[%multiple_of3A_309, %dma_wait3A_312] : memref<320000x128xf32, #tpu.memory_space<hbm>> -> memref<80x128xf32, #tpu.memory_space<hbm>>
    tpu.wait_dma2 semaphore(%arg22 : memref<!tpu.dma_semaphore, #tpu.memory_space<semaphore_mem>>) src(%arg10 : memref<80x128xf32, #tpu.memory_space<vmem>>) dst(%dma_wait3A_313 : memref<80x128xf32, #tpu.memory_space<hbm>>)
    return
  }
}

module attributes {stable_mosaic.version = 14 : i64} {
  func.func @body(%arg0: i32, %arg1: memref<400x128xf32, #tpu.memory_space<vmem>>, %arg2: memref<400x128xf32, #tpu.memory_space<vmem>>, %arg3: memref<8x128xf32, #tpu.memory_space<vmem>>, %arg4: memref<1x128xf32, #tpu.memory_space<vmem>>, %arg5: memref<1x128xf32, #tpu.memory_space<vmem>>, %arg6: memref<400x128xf32, #tpu.memory_space<vmem>>) attributes {dimension_semantics = [#tpu.dimension_semantics<arbitrary>], iteration_bounds = array<i64: 25>, scalar_prefetch = 0 : i64, scratch_operands = 0 : i64, tpu.core_type = #tpu.core_type<tc>, window_params = [{transform_indices = @transform_0, window_bounds = array<i64: 400, 128>}, {transform_indices = @transform_1, window_bounds = array<i64: 400, 128>}, {pipeline_mode = #tpu.pipeline_mode<synchronous>, transform_indices = @transform_2, window_bounds = array<i64: 8, 128>}, {pipeline_mode = #tpu.pipeline_mode<synchronous>, transform_indices = @transform_3, window_bounds = array<i64: 1, 128>}, {pipeline_mode = #tpu.pipeline_mode<synchronous>, transform_indices = @transform_4, window_bounds = array<i64: 1, 128>}, {transform_indices = @transform_5, window_bounds = array<i64: 400, 128>}]} {
    %get3A = arith.constant 0 : index
    %get3A_0 = arith.constant 0 : index
    %get3A_1 = vector.load %arg3[%get3A, %get3A_0] : memref<8x128xf32, #tpu.memory_space<vmem>>, vector<8x128xf32>
    %slice3A = vector.extract_strided_slice %get3A_1 {offsets = [0, 0], sizes = [1, 128], strides = [1, 1]} : vector<8x128xf32> to vector<1x128xf32>
    %div3A = arith.constant 1.000000e+04 : f32
    %div3A_2 = vector.broadcast %div3A : f32 to vector<1x128xf32>
    %div3A_3 = arith.divf %slice3A, %div3A_2 : vector<1x128xf32>
    %slice3A_4 = vector.extract_strided_slice %get3A_1 {offsets = [1, 0], sizes = [1, 128], strides = [1, 1]} : vector<8x128xf32> to vector<1x128xf32>
    %div3A_5 = arith.constant 1.000000e+04 : f32
    %div3A_6 = vector.broadcast %div3A_5 : f32 to vector<1x128xf32>
    %div3A_7 = arith.divf %slice3A_4, %div3A_6 : vector<1x128xf32>
    %mul3A = arith.mulf %div3A_3, %div3A_3 : vector<1x128xf32>
    %sub3A = arith.subf %div3A_7, %mul3A : vector<1x128xf32>
    %get3A_8 = arith.constant 0 : index
    %get3A_9 = arith.constant 0 : index
    %get3A_10 = vector.load %arg4[%get3A_8, %get3A_9] : memref<1x128xf32, #tpu.memory_space<vmem>>, vector<1x128xf32>
    %add3A = arith.constant 9.99999974E-6 : f32
    %add3A_11 = vector.broadcast %add3A : f32 to vector<1x128xf32>
    %add3A_12 = arith.addf %sub3A, %add3A_11 : vector<1x128xf32>
    %rsqrt3A = math.rsqrt %add3A_12 : vector<1x128xf32>
    %mul3A_13 = arith.mulf %get3A_10, %rsqrt3A : vector<1x128xf32>
    %get3A_14 = arith.constant 0 : index
    %get3A_15 = arith.constant 0 : index
    %get3A_16 = vector.load %arg2[%get3A_14, %get3A_15] : memref<400x128xf32, #tpu.memory_space<vmem>>, vector<400x128xf32>
    %get3A_17 = arith.constant 0 : index
    %get3A_18 = arith.constant 0 : index
    %get3A_19 = vector.load %arg1[%get3A_17, %get3A_18] : memref<400x128xf32, #tpu.memory_space<vmem>>, vector<400x128xf32>
    %sub3A_20 = vector.broadcast %div3A_3 : vector<1x128xf32> to vector<400x128xf32>
    %sub3A_21 = arith.subf %get3A_19, %sub3A_20 : vector<400x128xf32>
    %mul3A_22 = vector.broadcast %mul3A_13 : vector<1x128xf32> to vector<400x128xf32>
    %mul3A_23 = arith.mulf %sub3A_21, %mul3A_22 : vector<400x128xf32>
    %add3A_24 = arith.addf %get3A_16, %mul3A_23 : vector<400x128xf32>
    %get3A_25 = arith.constant 0 : index
    %get3A_26 = arith.constant 0 : index
    %get3A_27 = vector.load %arg5[%get3A_25, %get3A_26] : memref<1x128xf32, #tpu.memory_space<vmem>>, vector<1x128xf32>
    %add3A_28 = vector.broadcast %get3A_27 : vector<1x128xf32> to vector<400x128xf32>
    %add3A_29 = arith.addf %add3A_24, %add3A_28 : vector<400x128xf32>
    %mul3A_30 = arith.constant 1.44269502 : f32
    %mul3A_31 = vector.broadcast %mul3A_30 : f32 to vector<400x128xf32>
    %mul3A_32 = arith.mulf %add3A_29, %mul3A_31 : vector<400x128xf32>
    %exp23A = math.exp2 %mul3A_32 : vector<400x128xf32>
    %add3A_33 = arith.constant 1.000000e+00 : f32
    %add3A_34 = vector.broadcast %add3A_33 : f32 to vector<400x128xf32>
    %add3A_35 = arith.addf %add3A_34, %exp23A : vector<400x128xf32>
    %log3A = math.log %add3A_35 : vector<400x128xf32>
    %log3A_36 = arith.constant 2.000000e+00 : f32
    %log3A_37 = math.log %log3A_36 : f32
    %div3A_38 = vector.broadcast %log3A_37 : f32 to vector<400x128xf32>
    %div3A_39 = arith.divf %log3A, %div3A_38 : vector<400x128xf32>
    %mul3A_40 = arith.constant 0.693147182 : f32
    %mul3A_41 = vector.broadcast %mul3A_40 : f32 to vector<400x128xf32>
    %mul3A_42 = arith.mulf %mul3A_41, %div3A_39 : vector<400x128xf32>
    %swap3A = arith.constant 0 : index
    %swap3A_43 = arith.constant 0 : index
    %swap3A_44 = vector.load %arg6[%swap3A, %swap3A_43] : memref<400x128xf32, #tpu.memory_space<vmem>>, vector<400x128xf32>
    tpu.vector_store %arg6[%swap3A, %swap3A_43], %mul3A_42 {strides = array<i32>} : memref<400x128xf32, #tpu.memory_space<vmem>>, vector<400x128xf32>,
    return
  }
  func.func @transform_0(%arg0: i32) -> (i32, i32) {
    %c0_i32 = arith.constant 0 : i32
    %c0_i32_0 = arith.constant 0 : i32
    return %arg0, %c0_i32 : i32, i32
  }
  func.func @transform_1(%arg0: i32) -> (i32, i32) {
    %c0_i32 = arith.constant 0 : i32
    %c0_i32_0 = arith.constant 0 : i32
    return %arg0, %c0_i32 : i32, i32
  }
  func.func @transform_2(%arg0: i32) -> (i32, i32) {
    %c0_i32 = arith.constant 0 : i32
    %c0_i32_0 = arith.constant 0 : i32
    %c0_i32_1 = arith.constant 0 : i32
    return %c0_i32, %c0_i32_0 : i32, i32
  }
  func.func @transform_3(%arg0: i32) -> (i32, i32) {
    %c0_i32 = arith.constant 0 : i32
    %c0_i32_0 = arith.constant 0 : i32
    %c0_i32_1 = arith.constant 0 : i32
    return %c0_i32, %c0_i32_0 : i32, i32
  }
  func.func @transform_4(%arg0: i32) -> (i32, i32) {
    %c0_i32 = arith.constant 0 : i32
    %c0_i32_0 = arith.constant 0 : i32
    %c0_i32_1 = arith.constant 0 : i32
    return %c0_i32, %c0_i32_0 : i32, i32
  }
  func.func @transform_5(%arg0: i32) -> (i32, i32) {
    %c0_i32 = arith.constant 0 : i32
    %c0_i32_0 = arith.constant 0 : i32
    return %arg0, %c0_i32 : i32, i32
  }
}

module attributes {stable_mosaic.version = 14 : i64} {
  func.func @body(%arg0: i32, %arg1: memref<400x128xf32, #tpu.memory_space<vmem>>, %arg2: memref<12800x128xf32, #tpu.memory_space<vmem>>, %arg3: memref<400x32x16xf32, #tpu.memory_space<vmem>>, %arg4: memref<128x256xf32, #tpu.memory_space<vmem>>, %arg5: memref<128x256xf32, #tpu.memory_space<vmem>>, %arg6: memref<16x256xf32, #tpu.memory_space<vmem>>, %arg7: memref<1x256xf32, #tpu.memory_space<vmem>>, %arg8: memref<256x128xf32, #tpu.memory_space<vmem>>, %arg9: memref<1x128xf32, #tpu.memory_space<vmem>>, %arg10: memref<400x128xf32, #tpu.memory_space<vmem>>, %arg11: memref<8x128xf32, #tpu.memory_space<vmem>>) attributes {dimension_semantics = [#tpu.dimension_semantics<arbitrary>], iteration_bounds = array<i64: 25>, scalar_prefetch = 0 : i64, scratch_operands = 0 : i64, tpu.core_type = #tpu.core_type<tc>, window_params = [{transform_indices = @transform_0, window_bounds = array<i64: 400, 128>}, {transform_indices = @transform_1, window_bounds = array<i64: 12800, 128>}, {transform_indices = @transform_2, window_bounds = array<i64: 400, 32, 16>}, {pipeline_mode = #tpu.pipeline_mode<synchronous>, transform_indices = @transform_3, window_bounds = array<i64: 128, 256>}, {pipeline_mode = #tpu.pipeline_mode<synchronous>, transform_indices = @transform_4, window_bounds = array<i64: 128, 256>}, {pipeline_mode = #tpu.pipeline_mode<synchronous>, transform_indices = @transform_5, window_bounds = array<i64: 16, 256>}, {pipeline_mode = #tpu.pipeline_mode<synchronous>, transform_indices = @transform_6, window_bounds = array<i64: 1, 256>}, {pipeline_mode = #tpu.pipeline_mode<synchronous>, transform_indices = @transform_7, window_bounds = array<i64: 256, 128>}, {pipeline_mode = #tpu.pipeline_mode<synchronous>, transform_indices = @transform_8, window_bounds = array<i64: 1, 128>}, {transform_indices = @transform_9, window_bounds = array<i64: 400, 128>}, {pipeline_mode = #tpu.pipeline_mode<synchronous>, transform_indices = @transform_10, window_bounds = array<i64: 8, 128>}]} {
    %get3A = arith.constant 0 : index
    %get3A_0 = arith.constant 0 : index
    %get3A_1 = vector.load %arg1[%get3A, %get3A_0] : memref<400x128xf32, #tpu.memory_space<vmem>>, vector<400x128xf32>
    %get3A_2 = arith.constant 0 : index
    %get3A_3 = arith.constant 0 : index
    %get3A_4 = vector.load %arg2[%get3A_2, %get3A_3] : memref<12800x128xf32, #tpu.memory_space<vmem>>, vector<12800x128xf32>
    %get3A_5 = arith.constant 0 : index
    %get3A_6 = arith.constant 0 : index
    %get3A_7 = arith.constant 0 : index
    %get3A_8 = vector.load %arg3[%get3A_5, %get3A_6, %get3A_7] : memref<400x32x16xf32, #tpu.memory_space<vmem>>, vector<400x32x16xf32>
    %reshape3A = vector.shape_cast %get3A_8 : vector<400x32x16xf32> to vector<12800x16xf32>
    %get3A_9 = arith.constant 0 : index
    %get3A_10 = arith.constant 0 : index
    %get3A_11 = vector.load %arg4[%get3A_9, %get3A_10] : memref<128x256xf32, #tpu.memory_space<vmem>>, vector<128x256xf32>
    %dot_general3A = arith.constant dense<0.000000e+00> : vector<400x256xf32>
    %dot_general3A_12 = tpu.matmul %get3A_1, %get3A_11, %dot_general3A {dimension_numbers = #tpu.dot_dimension_numbers<[1], [0], [0], [1], [0, 0, 1, 1], [], []>, transpose_lhs_hint = false} : vector<400x128xf32>, vector<128x256xf32>, vector<400x256xf32> -> vector<400x256xf32>
    %get3A_13 = arith.constant 0 : index
    %get3A_14 = arith.constant 0 : index
    %get3A_15 = vector.load %arg7[%get3A_13, %get3A_14] : memref<1x256xf32, #tpu.memory_space<vmem>>, vector<1x256xf32>
    %add3A = vector.broadcast %get3A_15 : vector<1x256xf32> to vector<400x256xf32>
    %add3A_16 = arith.addf %dot_general3A_12, %add3A : vector<400x256xf32>
    %get3A_17 = arith.constant 0 : index
    %get3A_18 = arith.constant 0 : index
    %get3A_19 = vector.load %arg5[%get3A_17, %get3A_18] : memref<128x256xf32, #tpu.memory_space<vmem>>, vector<128x256xf32>
    %dot_general3A_20 = arith.constant dense<0.000000e+00> : vector<12800x256xf32>
    %dot_general3A_21 = tpu.matmul %get3A_4, %get3A_19, %dot_general3A_20 {dimension_numbers = #tpu.dot_dimension_numbers<[1], [0], [0], [1], [0, 0, 1, 1], [], []>, transpose_lhs_hint = false} : vector<12800x128xf32>, vector<128x256xf32>, vector<12800x256xf32> -> vector<12800x256xf32>
    %get3A_22 = arith.constant 0 : index
    %get3A_23 = arith.constant 0 : index
    %get3A_24 = vector.load %arg6[%get3A_22, %get3A_23] : memref<16x256xf32, #tpu.memory_space<vmem>>, vector<16x256xf32>
    %dot_general3A_25 = arith.constant dense<0.000000e+00> : vector<12800x256xf32>
    %dot_general3A_26 = tpu.matmul %reshape3A, %get3A_24, %dot_general3A_25 {dimension_numbers = #tpu.dot_dimension_numbers<[1], [0], [0], [1], [0, 0, 1, 1], [], []>, transpose_lhs_hint = false} : vector<12800x16xf32>, vector<16x256xf32>, vector<12800x256xf32> -> vector<12800x256xf32>
    %add3A_27 = arith.addf %dot_general3A_21, %dot_general3A_26 : vector<12800x256xf32>
    %reshape3A_28 = vector.shape_cast %add3A_27 : vector<12800x256xf32> to vector<400x32x256xf32>
    %broadcast_in_dim3A = vector.shape_cast %add3A_16 : vector<400x256xf32> to vector<400x1x256xf32>
    %add3A_29 = vector.broadcast %broadcast_in_dim3A : vector<400x1x256xf32> to vector<400x32x256xf32>
    %add3A_30 = arith.addf %reshape3A_28, %add3A_29 : vector<400x32x256xf32>
    %slice3A = vector.extract_strided_slice %add3A_30 {offsets = [0, 0, 0], sizes = [400, 16, 256], strides = [1, 1, 1]} : vector<400x32x256xf32> to vector<400x16x256xf32>
    %max3A = arith.constant 0.000000e+00 : f32
    %max3A_31 = vector.broadcast %max3A : f32 to vector<400x16x256xf32>
    %max3A_32 = arith.maximumf %slice3A, %max3A_31 : vector<400x16x256xf32>
    %reduce_sum3A = arith.constant dense<0.000000e+00> : vector<400x256xf32>
    %reduce_sum3A_33 = vector.multi_reduction <add>, %max3A_32, %reduce_sum3A [1] : vector<400x16x256xf32> to vector<400x256xf32>
    %slice3A_34 = vector.extract_strided_slice %add3A_30 {offsets = [0, 16, 0], sizes = [400, 16, 256], strides = [1, 1, 1]} : vector<400x32x256xf32> to vector<400x16x256xf32>
    %mul3A = arith.constant 1.44269502 : f32
    %mul3A_35 = vector.broadcast %mul3A : f32 to vector<400x16x256xf32>
    %mul3A_36 = arith.mulf %slice3A_34, %mul3A_35 : vector<400x16x256xf32>
    %exp23A = math.exp2 %mul3A_36 : vector<400x16x256xf32>
    %add3A_37 = arith.constant 1.000000e+00 : f32
    %add3A_38 = vector.broadcast %add3A_37 : f32 to vector<400x16x256xf32>
    %add3A_39 = arith.addf %add3A_38, %exp23A : vector<400x16x256xf32>
    %log3A = math.log %add3A_39 : vector<400x16x256xf32>
    %log3A_40 = arith.constant 2.000000e+00 : f32
    %log3A_41 = math.log %log3A_40 : f32
    %div3A = vector.broadcast %log3A_41 : f32 to vector<400x16x256xf32>
    %div3A_42 = arith.divf %log3A, %div3A : vector<400x16x256xf32>
    %mul3A_43 = arith.constant 0.693147182 : f32
    %mul3A_44 = vector.broadcast %mul3A_43 : f32 to vector<400x16x256xf32>
    %mul3A_45 = arith.mulf %mul3A_44, %div3A_42 : vector<400x16x256xf32>
    %reduce_sum3A_46 = arith.constant dense<0.000000e+00> : vector<400x256xf32>
    %reduce_sum3A_47 = vector.multi_reduction <add>, %mul3A_45, %reduce_sum3A_46 [1] : vector<400x16x256xf32> to vector<400x256xf32>
    %add3A_48 = arith.addf %reduce_sum3A_33, %reduce_sum3A_47 : vector<400x256xf32>
    %get3A_49 = arith.constant 0 : index
    %get3A_50 = arith.constant 0 : index
    %get3A_51 = vector.load %arg8[%get3A_49, %get3A_50] : memref<256x128xf32, #tpu.memory_space<vmem>>, vector<256x128xf32>
    %dot_general3A_52 = arith.constant dense<0.000000e+00> : vector<400x128xf32>
    %dot_general3A_53 = tpu.matmul %add3A_48, %get3A_51, %dot_general3A_52 {dimension_numbers = #tpu.dot_dimension_numbers<[1], [0], [0], [1], [0, 0, 1, 1], [], []>, transpose_lhs_hint = false} : vector<400x256xf32>, vector<256x128xf32>, vector<400x128xf32> -> vector<400x128xf32>
    %get3A_54 = arith.constant 0 : index
    %get3A_55 = arith.constant 0 : index
    %get3A_56 = vector.load %arg9[%get3A_54, %get3A_55] : memref<1x128xf32, #tpu.memory_space<vmem>>, vector<1x128xf32>
    %add3A_57 = vector.broadcast %get3A_56 : vector<1x128xf32> to vector<400x128xf32>
    %add3A_58 = arith.addf %dot_general3A_53, %add3A_57 : vector<400x128xf32>
    %swap3A = arith.constant 0 : index
    %swap3A_59 = arith.constant 0 : index
    %swap3A_60 = vector.load %arg10[%swap3A, %swap3A_59] : memref<400x128xf32, #tpu.memory_space<vmem>>, vector<400x128xf32>
    tpu.vector_store %arg10[%swap3A, %swap3A_59], %add3A_58 {strides = array<i32>} : memref<400x128xf32, #tpu.memory_space<vmem>>, vector<400x128xf32>,
    %eq3A = arith.constant 0 : i32
    %eq3A_61 = arith.cmpi eq, %arg0, %eq3A : i32
    %convert_element_type3A = arith.extui %eq3A_61 : i1 to i32
    %cond3A = arith.constant 0 : i32
    %cond3A_62 = arith.cmpi ne, %convert_element_type3A, %cond3A : i32
    scf.if %cond3A_62 {
      %broadcast_in_dim3A_84 = arith.constant 0.000000e+00 : f32
      %broadcast_in_dim3A_85 = vector.broadcast %broadcast_in_dim3A_84 : f32 to vector<8x128xf32>
      %swap3A_86 = arith.constant 0 : index
      %swap3A_87 = arith.constant 0 : index
      %swap3A_88 = vector.load %arg11[%swap3A_86, %swap3A_87] : memref<8x128xf32, #tpu.memory_space<vmem>>, vector<8x128xf32>
      tpu.vector_store %arg11[%swap3A_86, %swap3A_87], %broadcast_in_dim3A_85 {strides = array<i32>} : memref<8x128xf32, #tpu.memory_space<vmem>>, vector<8x128xf32>,
    } else {
    }
    %get3A_63 = arith.constant 0 : index
    %get3A_64 = arith.constant 0 : index
    %get3A_65 = vector.load %arg11[%get3A_63, %get3A_64] : memref<8x128xf32, #tpu.memory_space<vmem>>, vector<1x128xf32>
    %reduce_sum3A_66 = arith.constant dense<0.000000e+00> : vector<128xf32>
    %reduce_sum3A_67 = vector.multi_reduction <add>, %add3A_58, %reduce_sum3A_66 [0] : vector<400x128xf32> to vector<128xf32>
    %broadcast_in_dim3A_68 = vector.shape_cast %reduce_sum3A_67 : vector<128xf32> to vector<1x128xf32>
    %add3A_69 = arith.addf %get3A_65, %broadcast_in_dim3A_68 : vector<1x128xf32>
    %swap3A_70 = arith.constant 0 : index
    %swap3A_71 = arith.constant 0 : index
    %swap3A_72 = vector.load %arg11[%swap3A_70, %swap3A_71] : memref<8x128xf32, #tpu.memory_space<vmem>>, vector<1x128xf32>
    tpu.vector_store %arg11[%swap3A_70, %swap3A_71], %add3A_69 {strides = array<i32>} : memref<8x128xf32, #tpu.memory_space<vmem>>, vector<1x128xf32>,
    %get3A_73 = arith.constant 1 : index
    %get3A_74 = arith.constant 0 : index
    %get3A_75 = vector.load %arg11[%get3A_73, %get3A_74] : memref<8x128xf32, #tpu.memory_space<vmem>>, vector<1x128xf32>
    %mul3A_76 = arith.mulf %add3A_58, %add3A_58 : vector<400x128xf32>
    %reduce_sum3A_77 = arith.constant dense<0.000000e+00> : vector<128xf32>
    %reduce_sum3A_78 = vector.multi_reduction <add>, %mul3A_76, %reduce_sum3A_77 [0] : vector<400x128xf32> to vector<128xf32>
    %broadcast_in_dim3A_79 = vector.shape_cast %reduce_sum3A_78 : vector<128xf32> to vector<1x128xf32>
    %add3A_80 = arith.addf %get3A_75, %broadcast_in_dim3A_79 : vector<1x128xf32>
    %swap3A_81 = arith.constant 1 : index
    %swap3A_82 = arith.constant 0 : index
    %swap3A_83 = vector.load %arg11[%swap3A_81, %swap3A_82] : memref<8x128xf32, #tpu.memory_space<vmem>>, vector<1x128xf32>
    tpu.vector_store %arg11[%swap3A_81, %swap3A_82], %add3A_80 {strides = array<i32>} : memref<8x128xf32, #tpu.memory_space<vmem>>, vector<1x128xf32>,
    return
  }
  func.func @transform_0(%arg0: i32) -> (i32, i32) {
    %c0_i32 = arith.constant 0 : i32
    %c0_i32_0 = arith.constant 0 : i32
    return %arg0, %c0_i32 : i32, i32
  }
  func.func @transform_1(%arg0: i32) -> (i32, i32) {
    %c0_i32 = arith.constant 0 : i32
    %c0_i32_0 = arith.constant 0 : i32
    return %arg0, %c0_i32 : i32, i32
  }
  func.func @transform_2(%arg0: i32) -> (i32, i32, i32) {
    %c0_i32 = arith.constant 0 : i32
    %c0_i32_0 = arith.constant 0 : i32
    %c0_i32_1 = arith.constant 0 : i32
    return %arg0, %c0_i32, %c0_i32_0 : i32, i32, i32
  }
  func.func @transform_3(%arg0: i32) -> (i32, i32) {
    %c0_i32 = arith.constant 0 : i32
    %c0_i32_0 = arith.constant 0 : i32
    %c0_i32_1 = arith.constant 0 : i32
    return %c0_i32, %c0_i32_0 : i32, i32
  }
  func.func @transform_4(%arg0: i32) -> (i32, i32) {
    %c0_i32 = arith.constant 0 : i32
    %c0_i32_0 = arith.constant 0 : i32
    %c0_i32_1 = arith.constant 0 : i32
    return %c0_i32, %c0_i32_0 : i32, i32
  }
  func.func @transform_5(%arg0: i32) -> (i32, i32) {
    %c0_i32 = arith.constant 0 : i32
    %c0_i32_0 = arith.constant 0 : i32
    %c0_i32_1 = arith.constant 0 : i32
    return %c0_i32, %c0_i32_0 : i32, i32
  }
  func.func @transform_6(%arg0: i32) -> (i32, i32) {
    %c0_i32 = arith.constant 0 : i32
    %c0_i32_0 = arith.constant 0 : i32
    %c0_i32_1 = arith.constant 0 : i32
    return %c0_i32, %c0_i32_0 : i32, i32
  }
  func.func @transform_7(%arg0: i32) -> (i32, i32) {
    %c0_i32 = arith.constant 0 : i32
    %c0_i32_0 = arith.constant 0 : i32
    %c0_i32_1 = arith.constant 0 : i32
    return %c0_i32, %c0_i32_0 : i32, i32
  }
  func.func @transform_8(%arg0: i32) -> (i32, i32) {
    %c0_i32 = arith.constant 0 : i32
    %c0_i32_0 = arith.constant 0 : i32
    %c0_i32_1 = arith.constant 0 : i32
    return %c0_i32, %c0_i32_0 : i32, i32
  }
  func.func @transform_9(%arg0: i32) -> (i32, i32) {
    %c0_i32 = arith.constant 0 : i32
    %c0_i32_0 = arith.constant 0 : i32
    return %arg0, %c0_i32 : i32, i32
  }
  func.func @transform_10(%arg0: i32) -> (i32, i32) {
    %c0_i32 = arith.constant 0 : i32
    %c0_i32_0 = arith.constant 0 : i32
    %c0_i32_1 = arith.constant 0 : i32
    return %c0_i32, %c0_i32_0 : i32, i32
  }
}

</mosaic_0001>

<sc_bundles>
// kernel: kernel.5.cloned.1.call-start
scs
__scs_entry_jumppad:
0x0: {  	(pc) =	sbr.rel $0x88, $3  }
0x1: {  	(tag) =	ssettag $0x0;
	lr =	simm.s32 $0x1  }
0x2: {  	[smem:$0x3F98] =	sst lr;
	_ =	strace $0xD0000000  }
0x3: {  	_ = 	snop  }
0x4: {  	_ = 	snop  }
0x5: {  	_ = 	snop  }
0x6: {  	_ = 	snop  }
0x7: {  	_ = 	snop  }
__scs_overlays_trampoline_lowered:
0x8: {  	[smem:$0x3FA7] =	sst s0  }
0x9: {  	[smem:$0x3FA8] =	sst s1  }
0xa: {  	[smem:$0x3FA9] =	sst s2  }
0xb: {  	[smem:$0x3FAA] =	sst s3  }
0xc: {  	[smem:$0x3FAB] =	sst s4  }
0xd: {  	[smem:$0x3FAC] =	sst s5  }
0xe: {  	[smem:$0x3FAD] =	sst s6  }
0xf: {  	[smem:$0x3FAE] =	sst s7  }
0x10: {  	[smem:$0x3FAF] =	sst s8  }
0x11: {  	[smem:$0x3FB0] =	sst s9;
	s0 =	simm.s32 @!p0 $0x0  }
0x12: {  	s1 =	sld [smem:$0x3F96];
	s0 =	simm.s32 @p0 $0x1  }
0x13: {  	[smem:$0x3FB1] =	sst s0;
	s0 =	simm.s32 @!p1 $0x0  }
0x14: {  	s2 =	sld [smem:$0x3F95];
	s0 =	simm.s32 @p1 $0x1  }
0x15: {  	[smem:$0x3FB2] =	sst s0;
	s0 =	simm.s32 @!p2 $0x0  }
0x16: {  	s3 =	sld [smem:$0x3FDB];
	s0 =	simm.s32 @p2 $0x1  }
0x17: {  	s4 =	simm.s32 $0x1BF5;
	[smem:$0x3FB4] =	sst s0  }
0x18: {  	s0 =	sld [smem:$0x3F97];
	_ =	swait.ge [sflag:s4], $0x0  }
0x19: {  	s7 =	sld [smem:$0x3F98]  }
0x1a: {  	s8 =	sadd.s32 $0xFFFFE003, lr  }
0x1b: {  	s9 =	sadd.s32 $0xFFFFFEF7, lr;
	s5 =	simm.s32 $0xFFFFFFFF;
	p2 =	slt.u32 s8, $0xFFFFF086  }
0x1c: {  	p1 =	slt.u32 s9, $0xF7A;
	s5 =	simm.s32 @!p2 $0x0  }
0x1d: {  	s5 =	simm.s32 @p1 $0x1;
	p0 =	seq.s32 s7, s2  }
0x1e: {  	s7 =	smul.u32 @!p0 $0xF7A, s2;
	p2 =	seq.s32 @!p0 s5, $0x0  }
0x1f: {  	s9 =	smul.u32 $0xF7A, s1;
	s8 =	simm.s32 @!p0 $0x1BF5;
	p2 =	por !p2, p0  }
0x20: {  	[sflag:s8] =	ssyncset.s32 @!p0 $0xFFFFF086;
	s6 =	sadd.s32 @!p0 s3, s7;
	s7 =	simm.s32 @!p0 $0x108  }
0x21: {  	s3 =	sadd.s32 s3, s9;
	s6 =	sadd.s32 @!p0 $0x88, s6;
	s7 =	simm.s32 @p2 $0x1082  }
0x22: {  	[simem:s7], [sflag:s8] =	dma.local @!p0 [hbm:s6], $0xF7A  }
0x23: {  	s9 =	sor.u32 $0xD0000000, s2;
	s6 =	simm.s32 $0x108;
	_ =	swait.ge @!p0 [sflag:s8], $0x0  }
0x24: {  	s3 =	sadd.s32 $0x88, s3;
	s6 =	simm.s32 @!p1 $0x1082;
	[sflag:s4] =	ssyncset.s32 $0xFFFFF086  }
0x25: {  	[simem:s6], [sflag:s4] =	dma.local [hbm:s3], $0xF7A  }
0x26: {  	[smem:$0x3F98] =	sst s1;
	(tag) =	ssettag s2;
	_ =	strace s9  }
0x27: {  	s1 =	sld [smem:$0x3FA8]  }
0x28: {  	s2 =	sld [smem:$0x3FA9]  }
0x29: {  	s4 =	sld [smem:$0x3FAB]  }
0x2a: {  	p0 =	seq.s32 s5, $0x0;
	s5 =	sld [smem:$0x3FAC]  }
0x2b: {  	s6 =	sld [smem:$0x3FAD]  }
0x2c: {  	s7 =	sld [smem:$0x3FAE]  }
0x2d: {  	s3 =	simm.s32 $0x108;
	s8 =	sld [smem:$0x3FAF]  }
0x2e: {  	s3 =	simm.s32 @!p0 $0x1082;
	s9 =	sld [smem:$0x3FB0]  }
0x2f: {  	lr =	sadd.s32 s0, s3;
	s0 =	sld [smem:$0x3FA7]  }
0x30: {  	s3 =	sld [smem:$0x3FAA]  }
0x31: {  	[smem:$0x3FB3] =	sst s10  }
0x32: {  	s10 =	sld [smem:$0x3FB1];
	_ =	sdelay $0x3  }
0x33: {  	p0 =	seq.s32 s10, $0x1;
	s10 =	sld [smem:$0x3FB3];
	_ =	sdelay $0x3  }
0x34: {  	[smem:$0x3FB3] =	sst s10  }
0x35: {  	s10 =	sld [smem:$0x3FB2];
	_ =	sdelay $0x3  }
0x36: {  	p1 =	seq.s32 s10, $0x1;
	s10 =	sld [smem:$0x3FB3];
	_ =	sdelay $0x3  }
0x37: {  	[smem:$0x3FB3] =	sst s10  }
0x38: {  	s10 =	sld [smem:$0x3FB4]  }
0x39: {  	_ = 	snop;
	(pc) =	sbr.ind lr, $3  }
0x3a: {  	_ = 	snop  }
0x3b: {  	_ = 	snop  }
0x3c: {  	p2 =	seq.s32 s10, $0x1;
	s10 =	sld [smem:$0x3FB3]  }
0x3d: {  	_ =	shalt  }
0x3e: {  	_ =	shalt  }
0x3f: {  	_ =	shalt  }
0x40: {  	_ =	shalt  }
0x41: {  	_ =	shalt  }
0x42: {  	_ =	shalt  }
0x43: {  	_ =	shalt  }
0x44: {  	_ =	shalt  }
0x45: {  	_ =	shalt  }
0x46: {  	_ =	shalt  }
0x47: {  	_ =	shalt  }
0x48: {  	_ =	shalt  }
0x49: {  	_ =	shalt  }
0x4a: {  	_ =	shalt  }
0x4b: {  	_ =	shalt  }
0x4c: {  	_ =	shalt  }
0x4d: {  	_ =	shalt  }
0x4e: {  	_ =	shalt  }
0x4f: {  	_ =	shalt  }
0x50: {  	_ =	shalt  }
0x51: {  	_ =	shalt  }
0x52: {  	_ =	shalt  }
0x53: {  	_ =	shalt  }
0x54: {  	_ =	shalt  }
0x55: {  	_ =	shalt  }
0x56: {  	_ =	shalt  }
0x57: {  	_ =	shalt  }
0x58: {  	_ =	shalt  }
0x59: {  	_ =	shalt  }
0x5a: {  	_ =	shalt  }
0x5b: {  	_ =	shalt  }
0x5c: {  	_ =	shalt  }
0x5d: {  	_ =	shalt  }
0x5e: {  	_ =	shalt  }
0x5f: {  	_ =	shalt  }
0x60: {  	_ =	shalt  }
0x61: {  	_ =	shalt  }
0x62: {  	_ =	shalt  }
0x63: {  	_ =	shalt  }
0x64: {  	_ =	shalt  }
0x65: {  	_ =	shalt  }
0x66: {  	_ =	shalt  }
0x67: {  	_ =	shalt  }
0x68: {  	_ =	shalt  }
0x69: {  	_ =	shalt  }
0x6a: {  	_ =	shalt  }
0x6b: {  	_ =	shalt  }
0x6c: {  	_ =	shalt  }
0x6d: {  	_ =	shalt  }
0x6e: {  	_ =	shalt  }
0x6f: {  	_ =	shalt  }
0x70: {  	_ =	shalt  }
0x71: {  	_ =	shalt  }
0x72: {  	_ =	shalt  }
0x73: {  	_ =	shalt  }
0x74: {  	_ =	shalt  }
0x75: {  	_ =	shalt  }
0x76: {  	_ =	shalt  }
0x77: {  	_ =	shalt  }
0x78: {  	_ =	shalt  }
0x79: {  	_ =	shalt  }
0x7a: {  	_ =	shalt  }
0x7b: {  	_ =	shalt  }
0x7c: {  	_ =	shalt  }
0x7d: {  	_ =	shalt  }
0x7e: {  	_ =	shalt  }
0x7f: {  	_ =	shalt  }
0x80: {  	_ =	shalt  }
0x81: {  	_ =	shalt  }
0x82: {  	_ =	shalt  }
0x83: {  	_ =	shalt  }
0x84: {  	_ =	shalt  }
0x85: {  	_ =	shalt  }
0x86: {  	_ =	shalt  }
0x87: {  	_ =	shalt  }
.Lfunc_end0:
.L_simem_size_0:
called_computation_lowered:
.L_overlay_start_0:
0x88: {  	s2 =	sld [smem:$0x3FD9]  }
0x89: {  	s3 =	sld [smem:$0x3FFE];
	_ =	sdelay $0x1  }
0x8a: {  	s1 =	srdreg.scid  }
0x8b: {  	s0 =	sand.u32 $0x1, s1  }
0x8c: {  	s17 =	sshll.u32 s0, $0xA;
	s2 =	sadd.s32 s3, s2  }
0x8d: {  	s2 =	sadd.s32 s2, s17  }
0x8e: {  	[smem:$0x3FBF] =	sst s2  }
0x8f: {  	_ = 	snop  }
0x90: {  	s2 =	sld [smem:$0x3FC9]  }
0x91: {  	s18 =	sld [smem:$0x3FD0];
	(tm) =	ssettm $0x1  }
0x92: {  	s4 =	sld [smem:$0x3FFB];
	_ =	sdelay $0x3  }
0x93: {  	_ =	strace s4  }
0x94: {  	s4 =	sld [smem:$0x3FFC];
	_ =	sdelay $0x3  }
0x95: {  	_ =	strace s4  }
0x96: {  	s4 =	sld [smem:$0x3FFD];
	_ =	sdelay $0x3  }
0x97: {  	_ =	strace s4  }
0x98: {  	_ =	strace $0x8FFFFFFF  }
0x99: {  	s19 =	sld [smem:$0x3FDB];
	_ =	sdelay $0x1  }
0x9a: {  	s5 =	simm.s32 $_scs_section_size  }
0x9b: {  	s6 =	simm.s32 $_size__tile_overlayer_lowered;
	s7 =	simm.s32 $_tile_overlayer_lowered  }
0x9c: {  	s22 =	simm.s32 $0x1BFF;
	s21 =	sshll.u32 s7, $0x1;
	s4 =	sadd.s32 s5, s19  }
0x9d: {  	s8 =	simm.s32 $0x0;
	s20 =	sshll.u32 s6, $0x1;
	s6 =	sadd.s32 s21, s4  }
0x9e: {  	[timem:s8], [sflag:s22] =	dma.local [hbm:s6], s20  }
0x9f: {  	_ =	swait.ge [sflag:s22], s20  }
0xa0: {  	s5 =	ssub.s32 $0x0, s20;
	[sflag:s22] =	ssyncset.done $0x0  }
0xa1: {  	[sflag:s22] =	ssyncadd.s32 s5;
	_ =	sdelay $0x1  }
0xa2: {  	s23 =	simm.s32 $0x1B8B  }
0xa3: {  	_ =	swait.ge [sflag:s23], $0x1  }
0xa4: {  	[sflag:s23] =	ssyncset.done $0x0  }
0xa5: {  	s25 =	simm.s32 $0x1B8E;
	s24 =	sld [smem:$0x3FFE];
	[sflag:s23] =	ssyncadd.s32 $0xFFFFFFFF  }
0xa6: {  	s26 =	simm.s32 $execute0_lowered;
	[smem:$0x3FD2] =	sst s25  }
0xa7: {  	s6 =	sshll.u32 s26, $0x1;
	_ =	strace $0x80000046;
	[dreg:$0x1] =	wrdreg $0xFFFFFFFF  }
0xa8: {  	s28 =	simm.s32 $_size_execute0_lowered;
	s4 =	sadd.s32 s4, s6;
	[dreg:$0x0] =	wrdreg $0x0  }
0xa9: {  	s6 =	sshll.u32 s28, $0x1;
	[dreg:$0x2] =	wrdreg s4  }
0xaa: {  	[dreg:$0x3] =	wrdreg s6  }
0xab: {  	[dreg:$0x4] =	wrdreg $0xC0  }
0xac: {  	_ =	task [dreg:s8], $0x5FFFF  }
0xad: {  	[dreg:$0x1] =	wrdreg $0xFFFFFFFF  }
0xae: {  	[dreg:$0x0] =	wrdreg $0x60  }
0xaf: {  	[dreg:$0x2] =	wrdreg s2  }
0xb0: {  	[dreg:$0x3] =	wrdreg s18  }
0xb1: {  	[dreg:$0x4] =	wrdreg s24  }
0xb2: {  	[dreg:$0x5] =	wrdreg $0x9  }
0xb3: {  	_ =	task.clear_ibuf [dreg:s8], $0x6FFFF;
	_ =	strace $0x90000046  }
0xb4: {  	s29 =	simm.s32 $0x9;
	_ =	strace $0x80000048  }
0xb5: {  	_ =	swait.ge [sflag:s29], $0x1  }
0xb6: {  	[sflag:s29] =	ssyncadd.s32 $0xFFFFFFFF  }
0xb7: {  	_ =	strace $0x90000048  }
0xb8: {  	_ =	sfence  }
0xb9: {  	s30 =	sld [smem:$0x0];
	_ =	sdelay $0x2  }
0xba: {  	s31 =	sshll.u32 s1, $0xD;
	s1 =	sshrl.u32 s1, $0x2  }
0xbb: {  	s3 =	sand.u32 $0x4000, s31;
	s1 =	sadd.s32 s1, s30  }
0xbc: {  	s0 =	sor.u32 s3, s0;
	s1 =	sshll.u32 s1, $0x11  }
0xbd: {  	s0 =	sor.u32 s1, s0  }
0xbe: {  	s0 =	sadd.s32 $0x8F2B, s0  }
0xbf: {  	[sflag:s0] =	ssyncadd.remote.s32 $0x1  }
0xc0: {  	_ =	sfence.sel $0xFFFF  }
0xc1: {  	[dreg:$0x0] =	wrdreg $0xFFFFFFFF;
	(pc) =	sbr.abs _section_cstart, $3  }
0xc2: {  	[dreg:$0x1] =	wrdreg $0xFFFFFFFF  }
0xc3: {  	_ =	task.clear_ibuf [dreg:s8], $0x2FFFF;
	_ =	strace $0x9FFFFFFF  }
0xc4: {  	(tm) =	ssettm $0x7FFFFFFF  }
0xc5: {  	_ =	shalt  }
tec
execute0_lowered:
.L_overlay_start_1:
0x0: {  	(tag) =	ssettag $0x1  }
0x1: {  	s1 =	rddreg [dreg:$0x0]  }
0x2: {  	s0 =	rddreg [dreg:$0x1];
	s2 =	srdreg.scid  }
0x3: {  	s10 =	stileid.u32;
	s4 =	rddreg [dreg:$0x2];
	s3 =	simm.s32 $0x0  }
0x4: {  	s28 =	simm.s32 $0x1;
	s30 =	simm.s32 $0xE000;
	s31 =	simm.s32 $0x2  }
0x5: {  	s29 =	simm.s32 $0x4;
	s2 =	sand.u32 $0x1, s2;
	s5 =	sshll.u32 s10, $0x1  }
0x6: {  	[smem:$0x7FF] =	sst s3;
	s4 =	sadd.s32 $0x1600, s4;
	s22 =	smul.u32 $0x4E200, s10  }
0x7: {  	s5 =	sor.u32 s2, s5;
	s6 =	ssub.s32 $0x2, s2;
	s2 =	smul.u32 $0x27100, s2  }
0x8: {  	_ =	strace $0x80000047;
	s7 =	smul.u32 $0x138800, s5;
	s8 =	sshrl.u32 s6, $0x1  }
0x9: {  	s9 =	sshll.u32 s5, $0xB;
	s5 =	smul.u32 $0x27100, s5;
	s6 =	ssub.s32 s6, s8  }
0xa: {  	s0 =	sadd.s32 s0, s9;
	s8 =	simm.s32 $0xC;
	s9 =	simm.s32 $0x0  }
0xb: {  	s7 =	sshrl.u32 s7, $0x3;
	[dreg:$0x4] =	wrdreg s0;
	s5 =	sadd.s32 s4, s5  }
0xc: {  	s16 =	smax.u32 s6, $0x1;
	s0 =	simm.s32 $0x10800;
	s17 =	sadd.s32 s4, s7  }
0xd: {  	s6 =	simm.s32 $0xA;
	[dreg:$0x5] =	wrdreg s5;
	s18 =	sadd.s32 $0x500, s17  }
0xe: {  	s4 =	sadd.s32 s22, s4;
	s19 =	sadd.s32 $0xA00, s17;
	[dreg:$0x6] =	wrdreg s18  }
0xf: {  	s22 =	simm.s32 $0x6800;
	s20 =	sadd.s32 $0xF00, s17;
	[dreg:$0x7] =	wrdreg s19  }
0x10: {  	s5 =	simm.s32 $0x6;
	s21 =	sadd.s32 $0x1400, s17;
	[dreg:$0x8] =	wrdreg s20  }
0x11: {  	s7 =	sadd.s32 $0x25300, s17;
	s23 =	sadd.s32 $0x25800, s17;
	[dreg:$0x9] =	wrdreg s21  }
0x12: {  	s24 =	sadd.s32 $0x25D00, s17;
	s25 =	sadd.s32 $0x26200, s17;
	[dreg:$0xa] =	wrdreg s7  }
0x13: {  	s14 =	sadd.s32 $0x26700, s17;
	s15 =	sadd.s32 $0x26C00, s17;
	[dreg:$0xb] =	wrdreg s23  }
0x14: {  	s26 =	sadd.s32 s2, s4;
	s2 =	simm.s32 $0x8;
	[dreg:$0xc] =	wrdreg s24  }
0x15: {  	s4 =	simm.s32 $0x9;
	[dreg:$0xd] =	wrdreg s25;
	s17 =	sadd.s32 $0x1900, s26  }
0x16: {  	s18 =	simm.s32 $0xD;
	s19 =	simm.s32 $0x50;
	s20 =	simm.s32 $0x4000  }
0x17: {  	s24 =	simm.s32 $0x9000;
	s26 =	simm.s32 $0xB800;
	s21 =	simm.s32 $0x3  }
0x18: {  	s23 =	simm.s32 $0x7;
	s25 =	simm.s32 $0x5;
	s7 =	simm.s32 $0xB  }
.LBB2_1:
0x19: {  	s10 =	rddreg [dreg:$0x4]  }
0x1a: {  	[tilespmem:s3], [sflag:$0xD] =	stream.linear.gather [hbm4b:s10+s3], $0x3E80, $0x38;
	[tilespmem:$0x13000] =	vst v63  }
0x1b: {  	_ =	swait.ge [sflag:s18], $0x3E80  }
0x1c: {  	[sflag:s18] =	ssyncset.done $0x0  }
0x1d: {  	[sflag:s18] =	ssyncadd.s32 $0xFFFFC180  }
0x1e: {  	[tilespmem:s20], [sflag:$0x1] =	stream.indirect.gather [hbm4b:s1+s19], $0x80, s3, s19, $0xb8;
	[tilespmem:$0x13000] =	vst v63  }
0x1f: {  	s13 =	simm.s32 $0x80  }
0x20: {  	[tilespmem:s22], [sflag:$0x2] =	stream.indirect.gather [hbm4b:s1+s19], $0x80, s13, s19, $0xb8;
	[tilespmem:$0x13000] =	vst v63  }
0x21: {  	s11 =	simm.s32 $0x100  }
0x22: {  	[tilespmem:s24], [sflag:$0x3] =	stream.indirect.gather [hbm4b:s1+s19], $0x80, s11, s19, $0xb8;
	[tilespmem:$0x13000] =	vst v63  }
0x23: {  	s12 =	simm.s32 $0x180  }
0x24: {  	[tilespmem:s26], [sflag:$0x4] =	stream.indirect.gather [hbm4b:s1+s19], $0x80, s12, s19, $0xb8;
	[tilespmem:$0x13000] =	vst v63  }
0x25: {  	_ =	swait.ge [sflag:s28], $0x2800  }
0x26: {  	[sflag:s28] =	ssyncset.done $0x0  }
0x27: {  	s13 =	rddreg [dreg:$0x5];
	[sflag:s28] =	ssyncadd.s32 $0xFFFFD800  }
0x28: {  	[hbm4b:s13+s3] =	stream.linear.scatter [tilespmem:s20], [sflag:$0x7], $0x2800, $0x38;
	[tilespmem:$0x13000] =	vst v63  }
0x29: {  	s11 =	simm.s32 $0x200  }
0x2a: {  	[tilespmem:s30], [sflag:$0x5] =	stream.indirect.gather [hbm4b:s1+s19], $0x80, s11, s19, $0xb8;
	[tilespmem:$0x13000] =	vst v63  }
0x2b: {  	_ =	swait.ge [sflag:s31], $0x2800  }
0x2c: {  	[sflag:s31] =	ssyncset.done $0x0  }
0x2d: {  	s12 =	rddreg [dreg:$0x6];
	[sflag:s31] =	ssyncadd.s32 $0xFFFFD800  }
0x2e: {  	[hbm4b:s12+s3] =	stream.linear.scatter [tilespmem:s22], [sflag:$0x8], $0x2800, $0x38;
	[tilespmem:$0x13000] =	vst v63  }
0x2f: {  	s13 =	simm.s32 $0x280  }
0x30: {  	[tilespmem:s0], [sflag:$0x6] =	stream.indirect.gather [hbm4b:s1+s19], $0x80, s13, s19, $0xb8;
	[tilespmem:$0x13000] =	vst v63  }
0x31: {  	_ =	swait.ge [sflag:s21], $0x2800  }
0x32: {  	[sflag:s21] =	ssyncset.done $0x0  }
0x33: {  	s11 =	rddreg [dreg:$0x7];
	[sflag:s21] =	ssyncadd.s32 $0xFFFFD800  }
0x34: {  	[hbm4b:s11+s3] =	stream.linear.scatter [tilespmem:s24], [sflag:$0x9], $0x2800, $0x38;
	[tilespmem:$0x13000] =	vst v63  }
0x35: {  	_ =	swait.ge [sflag:s23], $0x2800  }
0x36: {  	[sflag:s23] =	ssyncset.done $0x0  }
0x37: {  	s12 =	simm.s32 $0x300;
	[sflag:s23] =	ssyncadd.s32 $0xFFFFD800  }
0x38: {  	[tilespmem:s20], [sflag:$0x1] =	stream.indirect.gather [hbm4b:s1+s19], $0x80, s12, s19, $0xb8;
	[tilespmem:$0x13000] =	vst v63  }
0x39: {  	_ =	swait.ge [sflag:s29], $0x2800  }
0x3a: {  	[sflag:s29] =	ssyncset.done $0x0  }
0x3b: {  	s13 =	rddreg [dreg:$0x8];
	[sflag:s29] =	ssyncadd.s32 $0xFFFFD800  }
0x3c: {  	[hbm4b:s13+s3] =	stream.linear.scatter [tilespmem:s26], [sflag:$0xA], $0x2800, $0x38;
	[tilespmem:$0x13000] =	vst v63  }
0x3d: {  	_ =	swait.ge [sflag:s2], $0x2800  }
0x3e: {  	[sflag:s2] =	ssyncset.done $0x0  }
0x3f: {  	s11 =	simm.s32 $0x380;
	[sflag:s2] =	ssyncadd.s32 $0xFFFFD800  }
0x40: {  	[tilespmem:s22], [sflag:$0x2] =	stream.indirect.gather [hbm4b:s1+s19], $0x80, s11, s19, $0xb8;
	[tilespmem:$0x13000] =	vst v63  }
0x41: {  	_ =	swait.ge [sflag:s25], $0x2800  }
0x42: {  	[sflag:s25] =	ssyncset.done $0x0  }
0x43: {  	s12 =	rddreg [dreg:$0x9];
	[sflag:s25] =	ssyncadd.s32 $0xFFFFD800  }
0x44: {  	[hbm4b:s12+s3] =	stream.linear.scatter [tilespmem:s30], [sflag:$0xB], $0x2800, $0x38;
	[tilespmem:$0x13000] =	vst v63  }
0x45: {  	_ =	swait.ge [sflag:s4], $0x2800  }
0x46: {  	[sflag:s4] =	ssyncset.done $0x0  }
0x47: {  	s13 =	simm.s32 $0x400;
	[sflag:s4] =	ssyncadd.s32 $0xFFFFD800  }
0x48: {  	[tilespmem:s24], [sflag:$0x3] =	stream.indirect.gather [hbm4b:s1+s19], $0x80, s13, s19, $0xb8;
	[tilespmem:$0x13000] =	vst v63  }
0x49: {  	_ =	swait.ge [sflag:s5], $0x2800  }
0x4a: {  	[sflag:s5] =	ssyncset.done $0x0  }
0x4b: {  	[sflag:s5] =	ssyncadd.s32 $0xFFFFD800  }
0x4c: {  	[hbm4b:s17+s3] =	stream.linear.scatter [tilespmem:s0], [sflag:$0xC], $0x2800, $0x38;
	[tilespmem:$0x13000] =	vst v63  }
0x4d: {  	_ =	swait.ge [sflag:s6], $0x2800  }
0x4e: {  	[sflag:s6] =	ssyncset.done $0x0  }
0x4f: {  	s11 =	simm.s32 $0x480;
	[sflag:s6] =	ssyncadd.s32 $0xFFFFD800  }
0x50: {  	[tilespmem:s26], [sflag:$0x4] =	stream.indirect.gather [hbm4b:s1+s19], $0x80, s11, s19, $0xb8;
	[tilespmem:$0x13000] =	vst v63  }
0x51: {  	_ =	swait.ge [sflag:s28], $0x2800  }
0x52: {  	[sflag:s28] =	ssyncset.done $0x0  }
0x53: {  	s12 =	sadd.s32 $0x500, s17;
	[sflag:s28] =	ssyncadd.s32 $0xFFFFD800  }
0x54: {  	[hbm4b:s12+s3] =	stream.linear.scatter [tilespmem:s20], [sflag:$0x7], $0x2800, $0x38;
	[tilespmem:$0x13000] =	vst v63  }
0x55: {  	_ =	swait.ge [sflag:s7], $0x2800  }
0x56: {  	[sflag:s7] =	ssyncset.done $0x0  }
0x57: {  	s13 =	simm.s32 $0x500;
	[sflag:s7] =	ssyncadd.s32 $0xFFFFD800  }
0x58: {  	[tilespmem:s30], [sflag:$0x5] =	stream.indirect.gather [hbm4b:s1+s19], $0x80, s13, s19, $0xb8;
	[tilespmem:$0x13000] =	vst v63  }
0x59: {  	_ =	swait.ge [sflag:s31], $0x2800  }
0x5a: {  	[sflag:s31] =	ssyncset.done $0x0  }
0x5b: {  	s11 =	sadd.s32 $0xA00, s17;
	[sflag:s31] =	ssyncadd.s32 $0xFFFFD800  }
0x5c: {  	[hbm4b:s11+s3] =	stream.linear.scatter [tilespmem:s22], [sflag:$0x8], $0x2800, $0x38;
	[tilespmem:$0x13000] =	vst v63  }
0x5d: {  	_ =	swait.ge [sflag:s8], $0x2800  }
0x5e: {  	[sflag:s8] =	ssyncset.done $0x0  }
0x5f: {  	s12 =	simm.s32 $0x580;
	[sflag:s8] =	ssyncadd.s32 $0xFFFFD800  }
0x60: {  	[tilespmem:s0], [sflag:$0x6] =	stream.indirect.gather [hbm4b:s1+s19], $0x80, s12, s19, $0xb8;
	[tilespmem:$0x13000] =	vst v63  }
0x61: {  	_ =	swait.ge [sflag:s21], $0x2800  }
0x62: {  	[sflag:s21] =	ssyncset.done $0x0  }
0x63: {  	s13 =	sadd.s32 $0xF00, s17;
	[sflag:s21] =	ssyncadd.s32 $0xFFFFD800  }
0x64: {  	[hbm4b:s13+s3] =	stream.linear.scatter [tilespmem:s24], [sflag:$0x9], $0x2800, $0x38;
	[tilespmem:$0x13000] =	vst v63  }
0x65: {  	_ =	swait.ge [sflag:s23], $0x2800  }
0x66: {  	[sflag:s23] =	ssyncset.done $0x0  }
0x67: {  	s11 =	simm.s32 $0x600;
	[sflag:s23] =	ssyncadd.s32 $0xFFFFD800  }
0x68: {  	[tilespmem:s20], [sflag:$0x1] =	stream.indirect.gather [hbm4b:s1+s19], $0x80, s11, s19, $0xb8;
	[tilespmem:$0x13000] =	vst v63  }
0x69: {  	_ =	swait.ge [sflag:s29], $0x2800  }
0x6a: {  	[sflag:s29] =	ssyncset.done $0x0  }
0x6b: {  	s12 =	sadd.s32 $0x1400, s17;
	[sflag:s29] =	ssyncadd.s32 $0xFFFFD800  }
0x6c: {  	[hbm4b:s12+s3] =	stream.linear.scatter [tilespmem:s26], [sflag:$0xA], $0x2800, $0x38;
	[tilespmem:$0x13000] =	vst v63  }
0x6d: {  	_ =	swait.ge [sflag:s2], $0x2800  }
0x6e: {  	[sflag:s2] =	ssyncset.done $0x0  }
0x6f: {  	s13 =	simm.s32 $0x680;
	[sflag:s2] =	ssyncadd.s32 $0xFFFFD800  }
0x70: {  	[tilespmem:s22], [sflag:$0x2] =	stream.indirect.gather [hbm4b:s1+s19], $0x80, s13, s19, $0xb8;
	[tilespmem:$0x13000] =	vst v63  }
0x71: {  	_ =	swait.ge [sflag:s25], $0x2800  }
0x72: {  	s10 =	simm.s32 $0xC00;
	[sflag:s25] =	ssyncset.done $0x0  }
0x73: {  	s11 =	sadd.s32 $0x1E00, s17;
	s12 =	sadd.s32 $0x1900, s17;
	[sflag:s25] =	ssyncadd.s32 $0xFFFFD800  }
.LBB2_2:
0x74: {  	[hbm4b:s12+s3] =	stream.linear.scatter [tilespmem:s30], [sflag:$0xB], $0x2800, $0x38;
	[tilespmem:$0x13000] =	vst v63  }
0x75: {  	s12 =	smov.u32 s10  }
0x76: {  	p0 =	sne.s32 s10, $0xD800;
	s10 =	sadd.s32 $0xC00, s10;
	_ =	swait.ge [sflag:s4], $0x2800  }
0x77: {  	s12 =	sshra.s32 s12, $0x2;
	[sflag:s4] =	ssyncset.done $0x0  }
0x78: {  	s13 =	sadd.s32 $0x400, s12;
	[sflag:s4] =	ssyncadd.s32 $0xFFFFD800  }
0x79: {  	[tilespmem:s24], [sflag:$0x3] =	stream.indirect.gather [hbm4b:s1+s19], $0x80, s13, s19, $0xb8;
	[tilespmem:$0x13000] =	vst v63  }
0x7a: {  	_ =	swait.ge [sflag:s5], $0x2800  }
0x7b: {  	[sflag:s5] =	ssyncset.done $0x0  }
0x7c: {  	[sflag:s5] =	ssyncadd.s32 $0xFFFFD800  }
0x7d: {  	[hbm4b:s11+s3] =	stream.linear.scatter [tilespmem:s0], [sflag:$0xC], $0x2800, $0x38;
	[tilespmem:$0x13000] =	vst v63  }
0x7e: {  	_ =	swait.ge [sflag:s6], $0x2800  }
0x7f: {  	[sflag:s6] =	ssyncset.done $0x0  }
0x80: {  	s13 =	sadd.s32 $0x480, s12;
	[sflag:s6] =	ssyncadd.s32 $0xFFFFD800  }
0x81: {  	[tilespmem:s26], [sflag:$0x4] =	stream.indirect.gather [hbm4b:s1+s19], $0x80, s13, s19, $0xb8;
	[tilespmem:$0x13000] =	vst v63  }
0x82: {  	_ =	swait.ge [sflag:s28], $0x2800  }
0x83: {  	[sflag:s28] =	ssyncset.done $0x0  }
0x84: {  	s13 =	sadd.s32 $0x500, s11;
	[sflag:s28] =	ssyncadd.s32 $0xFFFFD800  }
0x85: {  	[hbm4b:s13+s3] =	stream.linear.scatter [tilespmem:s20], [sflag:$0x7], $0x2800, $0x38;
	[tilespmem:$0x13000] =	vst v63  }
0x86: {  	_ =	swait.ge [sflag:s7], $0x2800  }
0x87: {  	[sflag:s7] =	ssyncset.done $0x0  }
0x88: {  	s13 =	sadd.s32 $0x500, s12;
	[sflag:s7] =	ssyncadd.s32 $0xFFFFD800  }
0x89: {  	[tilespmem:s30], [sflag:$0x5] =	stream.indirect.gather [hbm4b:s1+s19], $0x80, s13, s19, $0xb8;
	[tilespmem:$0x13000] =	vst v63  }
0x8a: {  	_ =	swait.ge [sflag:s31], $0x2800  }
0x8b: {  	[sflag:s31] =	ssyncset.done $0x0  }
0x8c: {  	s13 =	sadd.s32 $0xA00, s11;
	[sflag:s31] =	ssyncadd.s32 $0xFFFFD800  }
0x8d: {  	[hbm4b:s13+s3] =	stream.linear.scatter [tilespmem:s22], [sflag:$0x8], $0x2800, $0x38;
	[tilespmem:$0x13000] =	vst v63  }
0x8e: {  	_ =	swait.ge [sflag:s8], $0x2800  }
0x8f: {  	[sflag:s8] =	ssyncset.done $0x0  }
0x90: {  	s13 =	sadd.s32 $0x580, s12;
	[sflag:s8] =	ssyncadd.s32 $0xFFFFD800  }
0x91: {  	[tilespmem:s0], [sflag:$0x6] =	stream.indirect.gather [hbm4b:s1+s19], $0x80, s13, s19, $0xb8;
	[tilespmem:$0x13000] =	vst v63  }
0x92: {  	_ =	swait.ge [sflag:s21], $0x2800  }
0x93: {  	[sflag:s21] =	ssyncset.done $0x0  }
0x94: {  	s13 =	sadd.s32 $0xF00, s11;
	[sflag:s21] =	ssyncadd.s32 $0xFFFFD800  }
0x95: {  	[hbm4b:s13+s3] =	stream.linear.scatter [tilespmem:s24], [sflag:$0x9], $0x2800, $0x38;
	[tilespmem:$0x13000] =	vst v63  }
0x96: {  	_ =	swait.ge [sflag:s23], $0x2800  }
0x97: {  	[sflag:s23] =	ssyncset.done $0x0  }
0x98: {  	s13 =	sadd.s32 $0x600, s12;
	[sflag:s23] =	ssyncadd.s32 $0xFFFFD800  }
0x99: {  	[tilespmem:s20], [sflag:$0x1] =	stream.indirect.gather [hbm4b:s1+s19], $0x80, s13, s19, $0xb8;
	[tilespmem:$0x13000] =	vst v63  }
0x9a: {  	_ =	swait.ge [sflag:s29], $0x2800  }
0x9b: {  	[sflag:s29] =	ssyncset.done $0x0  }
0x9c: {  	s13 =	sadd.s32 $0x1400, s11;
	[sflag:s29] =	ssyncadd.s32 $0xFFFFD800  }
0x9d: {  	[hbm4b:s13+s3] =	stream.linear.scatter [tilespmem:s26], [sflag:$0xA], $0x2800, $0x38;
	[tilespmem:$0x13000] =	vst v63  }
0x9e: {  	_ =	swait.ge [sflag:s2], $0x2800  }
0x9f: {  	[sflag:s2] =	ssyncset.done $0x0  }
.Ltmp0:
0xa0: {  	s12 =	sadd.s32 $0x680, s12;
	[sflag:s2] =	ssyncadd.s32 $0xFFFFD800;
	(pc) =	sbr.rel @p0 .LBB2_2-.Ltmp0, $4  }
0xa1: {  	[tilespmem:s22], [sflag:$0x2] =	stream.indirect.gather [hbm4b:s1+s19], $0x80, s12, s19, $0xb8;
	[tilespmem:$0x13000] =	vst v63  }
0xa2: {  	_ =	swait.ge [sflag:s25], $0x2800  }
0xa3: {  	[sflag:s25] =	ssyncset.done $0x0  }
0xa4: {  	s12 =	sadd.s32 $0x1900, s11;
	s11 =	sadd.s32 $0x1E00, s11;
	[sflag:s25] =	ssyncadd.s32 $0xFFFFD800  }
0xa5: {  	[hbm4b:s12+s3] =	stream.linear.scatter [tilespmem:s30], [sflag:$0xB], $0x2800, $0x38;
	[tilespmem:$0x13000] =	vst v63  }
0xa6: {  	_ =	swait.ge [sflag:s4], $0x2800  }
0xa7: {  	[sflag:s4] =	ssyncset.done $0x0  }
0xa8: {  	s10 =	simm.s32 $0x3D00;
	[sflag:s4] =	ssyncadd.s32 $0xFFFFD800  }
0xa9: {  	[tilespmem:s24], [sflag:$0x3] =	stream.indirect.gather [hbm4b:s1+s19], $0x80, s10, s19, $0xb8;
	[tilespmem:$0x13000] =	vst v63  }
0xaa: {  	_ =	swait.ge [sflag:s5], $0x2800  }
0xab: {  	[sflag:s5] =	ssyncset.done $0x0  }
0xac: {  	s11 =	rddreg [dreg:$0xa];
	[sflag:s5] =	ssyncadd.s32 $0xFFFFD800  }
0xad: {  	[hbm4b:s11+s3] =	stream.linear.scatter [tilespmem:s0], [sflag:$0xC], $0x2800, $0x38;
	[tilespmem:$0x13000] =	vst v63  }
0xae: {  	_ =	swait.ge [sflag:s6], $0x2800  }
0xaf: {  	[sflag:s6] =	ssyncset.done $0x0  }
0xb0: {  	s12 =	simm.s32 $0x3D80;
	[sflag:s6] =	ssyncadd.s32 $0xFFFFD800  }
0xb1: {  	[tilespmem:s26], [sflag:$0x4] =	stream.indirect.gather [hbm4b:s1+s19], $0x80, s12, s19, $0xb8;
	[tilespmem:$0x13000] =	vst v63  }
0xb2: {  	_ =	swait.ge [sflag:s28], $0x2800  }
0xb3: {  	[sflag:s28] =	ssyncset.done $0x0  }
0xb4: {  	s13 =	rddreg [dreg:$0xb];
	[sflag:s28] =	ssyncadd.s32 $0xFFFFD800  }
0xb5: {  	[hbm4b:s13+s3] =	stream.linear.scatter [tilespmem:s20], [sflag:$0x7], $0x2800, $0x38;
	[tilespmem:$0x13000] =	vst v63  }
0xb6: {  	_ =	swait.ge [sflag:s7], $0x2800  }
0xb7: {  	[sflag:s7] =	ssyncset.done $0x0  }
0xb8: {  	s11 =	simm.s32 $0x3E00;
	[sflag:s7] =	ssyncadd.s32 $0xFFFFD800  }
0xb9: {  	[tilespmem:s30], [sflag:$0x5] =	stream.indirect.gather [hbm4b:s1+s19], $0x80, s11, s19, $0xb8;
	[tilespmem:$0x13000] =	vst v63  }
0xba: {  	_ =	swait.ge [sflag:s31], $0x2800  }
0xbb: {  	[sflag:s31] =	ssyncset.done $0x0  }
0xbc: {  	s12 =	rddreg [dreg:$0xc];
	[sflag:s31] =	ssyncadd.s32 $0xFFFFD800  }
0xbd: {  	[hbm4b:s12+s3] =	stream.linear.scatter [tilespmem:s22], [sflag:$0x8], $0x2800, $0x38;
	[tilespmem:$0x13000] =	vst v63  }
0xbe: {  	_ =	swait.ge [sflag:s8], $0x2800  }
0xbf: {  	[sflag:s8] =	ssyncset.done $0x0  }
0xc0: {  	[sflag:s8] =	ssyncadd.s32 $0xFFFFD800  }
0xc1: {  	_ =	swait.ge [sflag:s21], $0x2800  }
0xc2: {  	[sflag:s21] =	ssyncset.done $0x0  }
0xc3: {  	s13 =	rddreg [dreg:$0xd];
	[sflag:s21] =	ssyncadd.s32 $0xFFFFD800  }
0xc4: {  	[hbm4b:s13+s3] =	stream.linear.scatter [tilespmem:s24], [sflag:$0x9], $0x2800, $0x38;
	[tilespmem:$0x13000] =	vst v63  }
0xc5: {  	_ =	swait.ge [sflag:s23], $0x2800  }
0xc6: {  	[sflag:s23] =	ssyncset.done $0x0  }
0xc7: {  	[sflag:s23] =	ssyncadd.s32 $0xFFFFD800  }
0xc8: {  	_ =	swait.ge [sflag:s29], $0x2800  }
0xc9: {  	[sflag:s29] =	ssyncset.done $0x0  }
0xca: {  	[sflag:s29] =	ssyncadd.s32 $0xFFFFD800  }
0xcb: {  	[hbm4b:s14+s3] =	stream.linear.scatter [tilespmem:s26], [sflag:$0xA], $0x2800, $0x38;
	[tilespmem:$0x13000] =	vst v63  }
0xcc: {  	_ =	swait.ge [sflag:s2], $0x2800  }
0xcd: {  	[sflag:s2] =	ssyncset.done $0x0  }
0xce: {  	[sflag:s2] =	ssyncadd.s32 $0xFFFFD800  }
0xcf: {  	_ =	swait.ge [sflag:s25], $0x2800  }
0xd0: {  	[sflag:s25] =	ssyncset.done $0x0  }
0xd1: {  	[sflag:s25] =	ssyncadd.s32 $0xFFFFD800  }
0xd2: {  	[hbm4b:s15+s3] =	stream.linear.scatter [tilespmem:s30], [sflag:$0xB], $0x2800, $0x38;
	[tilespmem:$0x13000] =	vst v63  }
0xd3: {  	_ =	swait.ge [sflag:s4], $0x2800  }
0xd4: {  	[sflag:s4] =	ssyncset.done $0x0  }
0xd5: {  	s9 =	sadd.s32 $0x1, s9;
	[sflag:s4] =	ssyncadd.s32 $0xFFFFD800  }
0xd6: {  	p0 =	sne.s32 s9, s16;
	_ =	swait.ge [sflag:s6], $0x2800  }
.Ltmp1:
0xd7: {  	[sflag:s6] =	ssyncset.done $0x0;
	(pc) =	sbr.rel @p0 .LBB2_1-.Ltmp1, $4  }
0xd8: {  	[sflag:s6] =	ssyncadd.s32 $0xFFFFD800  }
0xd9: {  	_ =	swait.ge [sflag:s7], $0x2800  }
0xda: {  	[sflag:s7] =	ssyncset.done $0x0  }
0xdb: {  	[sflag:s7] =	ssyncadd.s32 $0xFFFFD800  }
0xdc: {  	_ =	sfence.sel $0x180000  }
0xdd: {  	[bflag:$0x0] =	sbarrier.arrive $0xFFFF  }
0xde: {  	_ =	strace $0x90000047  }
0xdf: {  	s0 =	stileid.u32;
	[bflag:$0x2] =	sbarrier.arrive $0xFFFF  }
0xe0: {  	p0 =	sne.s32 s0, $0x0;
	s0 =	rddreg [dreg:$0x3]  }
0xe1: {  	s0 =	sadd.s32 @!p0 $0x100000, s0  }
0xe2: {  	[sflag:s0] =	ssyncadd.tile.s32 @!p0 $0x1;
	_ =	shalt  }
.Lfunc_end2:
_tile_overlayer_lowered:
.L_overlay_start_2:
0xe3: {  	(tag) =	ssettag $0x2  }
0xe4: {  	s0 =	rddreg [dreg:$0x0];
	s2 =	stileid.u32  }
0xe5: {  	s1 =	rddreg [dreg:$0x1];
	p0 =	sne.s32 s2, $0x0  }
0xe6: {  	s3 =	rddreg [dreg:$0x2];
	[bflag:$0x3] =	sbarrier.arrive $0xFFFF;
	s2 =	simm.s32 @!p0 $0x1C0D  }
0xe7: {  	[timem:s3], [sflag:s2] =	dma.local @!p0 [hbm:s0], s1  }
0xe8: {  	s0 =	simm.s32 @!p0 $0xD  }
0xe9: {  	_ =	swait.ge @!p0 [sflag:s0], s1  }
0xea: {  	s1 =	ssub.s32 @!p0 $0x0, s1;
	[sflag:s0] =	ssyncset.done @!p0 $0x0  }
0xeb: {  	[sflag:s0] =	ssyncadd.s32 @!p0 s1  }
0xec: {  	[bflag:$0x3] =	sbarrier.arrive $0xFFFF  }
0xed: {  	_ =	shalt  }

</sc_bundles>
